<compile_context>
chip_gen: v7x
topology: tpu7x:2x2x1
jax: 0.10.2.dev20260603
libtpu: 0.0.44.dev20260713+nightly
codegen_flags: <defaults>
</compile_context>

<pallas_src>
import functools

import jax
import jax.numpy as jnp
from jax import lax
from jax.experimental import pallas as pl
from jax.experimental.pallas import tpu as pltpu
from jax.experimental.pallas import tpu_sc as plsc

N = 10000
D = 128
E = 320000
HALF = 64
NS = 16
CHUNK = 128
CPT = 160
NCHUNK = CPT * NS
E_PAD = NCHUNK * CHUNK
NBLK = 4
CPB = CPT // NBLK
ROWS_PT = N // NS
NBUF = 4


def _agg_body(h_hbm, src_hbm, dst_hbm, out_hbm,
              h_sh, agg_sh, sidx_v, didx_v,
              buf0, buf1, buf2, buf3, gsems, ssems):
    c = lax.axis_index("c")
    s = lax.axis_index("s")
    c0 = c * HALF
    r0 = s * ROWS_PT
    bufs = (buf0, buf1, buf2, buf3)

    pltpu.sync_copy(h_hbm.at[pl.ds(r0, ROWS_PT), pl.ds(c0, HALF)],
                    h_sh.at[pl.ds(r0, ROWS_PT)])
    pltpu.sync_copy(h_hbm.at[pl.ds(r0, ROWS_PT), pl.ds(c0, HALF)],
                    agg_sh.at[pl.ds(r0, ROWS_PT)])
    plsc.subcore_barrier()

    def gather(j, t):
        return pltpu.async_copy(h_sh.at[sidx_v.at[j]], bufs[t], gsems.at[t])

    def gather_wait(j, t):
        pltpu.make_async_copy(h_sh.at[sidx_v.at[j]], bufs[t],
                              gsems.at[t]).wait()

    def scatter(j, t):
        return pltpu.async_copy(bufs[t], agg_sh.at[didx_v.at[j]],
                                ssems.at[t], add=True)

    def scatter_wait(j, t):
        pltpu.make_async_copy(bufs[t], agg_sh.at[didx_v.at[j]],
                              ssems.at[t]).wait()

    def blk(bi, carry):
        ch0 = s * CPT + bi * CPB
        pltpu.sync_copy(src_hbm.at[pl.ds(ch0, CPB)], sidx_v)
        pltpu.sync_copy(dst_hbm.at[pl.ds(ch0, CPB)], didx_v)

        def body(q, carry2):
            j = NBUF * q
            for t in range(NBUF):
                gather(j + t, t)
            for t in range(NBUF):
                gather_wait(j + t, t)
                scatter(j + t, t)
            for t in range(NBUF):
                scatter_wait(j + t, t)
            return carry2

        lax.fori_loop(0, CPB // NBUF, body, 0)
        return carry

    lax.fori_loop(0, NBLK, blk, 0)
    plsc.subcore_barrier()

    pltpu.sync_copy(agg_sh.at[pl.ds(r0, ROWS_PT)],
                    out_hbm.at[pl.ds(r0, ROWS_PT), pl.ds(c0, HALF)])


_agg = pl.kernel(
    _agg_body,
    out_type=jax.ShapeDtypeStruct((N, D), jnp.float32),
    mesh=plsc.VectorSubcoreMesh(core_axis_name="c", subcore_axis_name="s"),
    scratch_types=[
        pltpu.VMEM_SHARED((N, HALF), jnp.float32),
        pltpu.VMEM_SHARED((N + 8, HALF), jnp.float32),
        pltpu.VMEM((CPB, CHUNK), jnp.int32),
        pltpu.VMEM((CPB, CHUNK), jnp.int32),
        pltpu.VMEM((CHUNK, HALF), jnp.float32),
        pltpu.VMEM((CHUNK, HALF), jnp.float32),
        pltpu.VMEM((CHUNK, HALF), jnp.float32),
        pltpu.VMEM((CHUNK, HALF), jnp.float32),
        pltpu.SemaphoreType.DMA((NBUF,)),
        pltpu.SemaphoreType.DMA((NBUF,)),
    ],
    compiler_params=pltpu.CompilerParams(use_tc_tiling_on_sc=False),
)


def _mlp_body(z_ref, w_ref, b_ref, o_ref, *, relu):
    acc = jnp.dot(z_ref[...], w_ref[...],
                  preferred_element_type=jnp.float32) + b_ref[...]
    o_ref[...] = jnp.maximum(acc, 0.0) if relu else acc


def _mlp(z, w, b, relu):
    blk = 1000
    return pl.pallas_call(
        functools.partial(_mlp_body, relu=relu),
        grid=(N // blk,),
        in_specs=[
            pl.BlockSpec((blk, D), lambda i: (i, 0)),
            pl.BlockSpec((D, D), lambda i: (0, 0)),
            pl.BlockSpec((1, D), lambda i: (0, 0)),
        ],
        out_specs=pl.BlockSpec((blk, D), lambda i: (i, 0)),
        out_shape=jax.ShapeDtypeStruct((N, D), jnp.float32),
    )(z, w, b.reshape(1, D))


def kernel(x, edge_index, W1, b1, W2, b2, W3, b3):
    ei = edge_index.astype(jnp.int32)
    pad = E_PAD - E
    src = jnp.concatenate([ei[0], jnp.zeros((pad,), jnp.int32)])
    dst = jnp.concatenate([ei[1], jnp.full((pad,), N, jnp.int32)])
    src = src.reshape(NCHUNK, CHUNK)
    dst = dst.reshape(NCHUNK, CHUNK)

    h = x
    z = _agg(h, src, dst)
    h = _mlp(z, W1, b1, True)
    z = _agg(h, src, dst)
    h = _mlp(z, W2, b2, True)
    z = _agg(h, src, dst)
    return _mlp(z, W3, b3, False)

# --- scband reference (transcript-rebuilt; emitter-appended) ---
"""Pipeline reference for scband-gin-16200616641186 (READ-ONLY COPY).

The authoritative reference and input builder live on the scoring server;
editing this copy changes nothing except your own understanding.
"""

import jax, jax.numpy as jnp
import numpy as np

N = 10000
E = 320000
D_IN = 128
D_HID = 128
D_OUT = 128


def setup_inputs(seed: int = 0) -> dict:
    key = jax.random.key(seed)
    ks = jax.random.split(key, 10)
    x = jax.random.normal(ks[0], (N, D_IN), dtype=jnp.float32)
    edge_index = jax.random.randint(ks[1], (2, E), 0, N).astype(jnp.int64)
    # GINConv linear weights (eps = 0.0, non-learnable here)
    W1 = jax.random.normal(ks[2], (D_IN, D_HID), dtype=jnp.float32) / np.sqrt(D_IN)
    b1 = jnp.zeros((D_HID,), dtype=jnp.float32)
    W2 = jax.random.normal(ks[3], (D_HID, D_HID), dtype=jnp.float32) / np.sqrt(D_HID)
    b2 = jnp.zeros((D_HID,), dtype=jnp.float32)
    W3 = jax.random.normal(ks[4], (D_HID, D_OUT), dtype=jnp.float32) / np.sqrt(D_HID)
    b3 = jnp.zeros((D_OUT,), dtype=jnp.float32)
    return {"x": x, "edge_index": edge_index, "W1": W1, "b1": b1, "W2": W2, "b2": b2, "W3": W3, "b3": b3}


def _gin_conv(h, edge_index, W, b, eps=0.0):
    src = edge_index[0]
    dst = edge_index[1]
    # message = neighbor features gathered along src, scatter-add into dst
    msgs = jnp.take(h, src, axis=0)
    agg = jax.ops.segment_sum(msgs, dst, num_segments=h.shape[0])
    out = (1.0 + eps) * h + agg
    return out @ W + b


def reference(x, edge_index, W1, b1, W2, b2, W3, b3):
    # GIN forward, eval mode (dropout inactive)
    h = _gin_conv(x, edge_index, W1, b1)
    h = jax.nn.relu(h)
    h = _gin_conv(h, edge_index, W2, b2)
    h = jax.nn.relu(h)
    out = _gin_conv(h, edge_index, W3, b3)
    return out

if __name__ == "__main__":
    import jax
    _d = setup_inputs()
    print(jax.jit(kernel)(*tuple(_d.values())))

</pallas_src>

<mosaic_0001>
#map = affine_map<(d0, d1) -> (0, 0)>
module attributes {stable_mosaic.version = 14 : i64} {
  func.func @_agg_body(%arg0: i32, %arg1: i32, %arg2: memref<10000x128xf32, #tpu.memory_space<hbm>>, %arg3: memref<2560x128xi32, #tpu.memory_space<hbm>>, %arg4: memref<2560x128xi32, #tpu.memory_space<hbm>>, %arg5: memref<10000x128xf32, #tpu.memory_space<hbm>>, %arg6: memref<10000x64xf32, #tpu.memory_space<vmem_shared>>, %arg7: memref<10008x64xf32, #tpu.memory_space<vmem_shared>>, %arg8: memref<40x128xi32, #tpu.memory_space<vmem>>, %arg9: memref<40x128xi32, #tpu.memory_space<vmem>>, %arg10: memref<128x64xf32, #tpu.memory_space<vmem>>, %arg11: memref<128x64xf32, #tpu.memory_space<vmem>>, %arg12: memref<128x64xf32, #tpu.memory_space<vmem>>, %arg13: memref<128x64xf32, #tpu.memory_space<vmem>>, %arg14: memref<4x!tpu.dma_semaphore, #tpu.memory_space<semaphore_mem>>, %arg15: memref<4x!tpu.dma_semaphore, #tpu.memory_space<semaphore_mem>>) attributes {dimension_semantics = [#tpu.dimension_semantics<core_parallel>, #tpu.dimension_semantics<subcore_parallel>], iteration_bounds = array<i64: 2, 16>, scalar_prefetch = 0 : i64, scratch_operands = 10 : i64, tpu.core_type = #tpu.core_type<sc_vector_subcore>, window_params = [{transform_indices = #map}, {transform_indices = #map}, {transform_indices = #map}, {transform_indices = #map}]} {
    %mul3A = arith.constant 64 : i32
    %mul3A_0 = arith.muli %arg0, %mul3A : i32
    %mul3A_1 = arith.constant 625 : i32
    %mul3A_2 = arith.muli %arg1, %mul3A_1 : i32
    "tpu.region"() ({
      %run_scoped3A = tpu.sem_alloc : memref<!tpu.dma_semaphore, #tpu.memory_space<semaphore_mem>>
      %dma_start3A = arith.constant 0 : i32
      %dma_start3A_9 = tpu.memref_slice %arg6[%mul3A_2, %dma_start3A] : memref<10000x64xf32, #tpu.memory_space<vmem_shared>> -> memref<625x64xf32, #tpu.memory_space<vmem_shared>>
      %dma_start3A_10 = tpu.memref_slice %arg2[%mul3A_2, %mul3A_0] : memref<10000x128xf32, #tpu.memory_space<hbm>> -> memref<625x64xf32, #tpu.memory_space<hbm>>
      tpu.enqueue_dma source(%dma_start3A_10 : memref<625x64xf32, #tpu.memory_space<hbm>>) target(%dma_start3A_9 : memref<625x64xf32, #tpu.memory_space<vmem_shared>>) target_semaphore(%run_scoped3A : memref<!tpu.dma_semaphore, #tpu.memory_space<semaphore_mem>>)
      %dma_wait3A = arith.constant 0 : i32
      %dma_wait3A_11 = tpu.memref_slice %arg6[%mul3A_2, %dma_wait3A] : memref<10000x64xf32, #tpu.memory_space<vmem_shared>> -> memref<625x64xf32, #tpu.memory_space<vmem_shared>>
      %dma_wait3A_12 = tpu.memref_slice %arg2[%mul3A_2, %mul3A_0] : memref<10000x128xf32, #tpu.memory_space<hbm>> -> memref<625x64xf32, #tpu.memory_space<hbm>>
      tpu.wait_dma2 semaphore(%run_scoped3A : memref<!tpu.dma_semaphore, #tpu.memory_space<semaphore_mem>>) src(%dma_wait3A_12 : memref<625x64xf32, #tpu.memory_space<hbm>>) dst(%dma_wait3A_11 : memref<625x64xf32, #tpu.memory_space<vmem_shared>>)
      tpu.yield
    }) : () -> ()
    "tpu.region"() ({
      %run_scoped3A = tpu.sem_alloc : memref<!tpu.dma_semaphore, #tpu.memory_space<semaphore_mem>>
      %dma_start3A = arith.constant 0 : i32
      %dma_start3A_9 = tpu.memref_slice %arg7[%mul3A_2, %dma_start3A] : memref<10008x64xf32, #tpu.memory_space<vmem_shared>> -> memref<625x64xf32, #tpu.memory_space<vmem_shared>>
      %dma_start3A_10 = tpu.memref_slice %arg2[%mul3A_2, %mul3A_0] : memref<10000x128xf32, #tpu.memory_space<hbm>> -> memref<625x64xf32, #tpu.memory_space<hbm>>
      tpu.enqueue_dma source(%dma_start3A_10 : memref<625x64xf32, #tpu.memory_space<hbm>>) target(%dma_start3A_9 : memref<625x64xf32, #tpu.memory_space<vmem_shared>>) target_semaphore(%run_scoped3A : memref<!tpu.dma_semaphore, #tpu.memory_space<semaphore_mem>>)
      %dma_wait3A = arith.constant 0 : i32
      %dma_wait3A_11 = tpu.memref_slice %arg7[%mul3A_2, %dma_wait3A] : memref<10008x64xf32, #tpu.memory_space<vmem_shared>> -> memref<625x64xf32, #tpu.memory_space<vmem_shared>>
      %dma_wait3A_12 = tpu.memref_slice %arg2[%mul3A_2, %mul3A_0] : memref<10000x128xf32, #tpu.memory_space<hbm>> -> memref<625x64xf32, #tpu.memory_space<hbm>>
      tpu.wait_dma2 semaphore(%run_scoped3A : memref<!tpu.dma_semaphore, #tpu.memory_space<semaphore_mem>>) src(%dma_wait3A_12 : memref<625x64xf32, #tpu.memory_space<hbm>>) dst(%dma_wait3A_11 : memref<625x64xf32, #tpu.memory_space<vmem_shared>>)
      tpu.yield
    }) : () -> ()
    %barrier3A = arith.constant 0 : index
    tpu.barrier barrier_id(%barrier3A)
    %scan3A = arith.constant 0 : i32
    %scan3A_3 = arith.constant 0 : i32
    %scan3A_4 = arith.constant 4 : i32
    %scan3A_5 = arith.addi %scan3A_3, %scan3A_4 : i32
    %scan3A_6 = arith.constant 1 : i32
    scf.for %scan3A_9 = %scan3A_3 to %scan3A_5 step %scan3A_6  : i32 {
      %mul3A_10 = arith.constant 160 : i32
      %mul3A_11 = arith.muli %arg1, %mul3A_10 : i32
      %mul3A_12 = arith.constant 40 : i32
      %mul3A_13 = arith.muli %scan3A_9, %mul3A_12 : i32
      %add3A = arith.addi %mul3A_11, %mul3A_13 : i32
      "tpu.region"() ({
        %run_scoped3A = tpu.sem_alloc : memref<!tpu.dma_semaphore, #tpu.memory_space<semaphore_mem>>
        %dma_start3A = arith.constant 0 : i32
        %dma_start3A_20 = tpu.memref_slice %arg3[%add3A, %dma_start3A] : memref<2560x128xi32, #tpu.memory_space<hbm>> -> memref<40x128xi32, #tpu.memory_space<hbm>>
        %dma_start3A_21 = arith.constant 0 : i32
        %dma_start3A_22 = tpu.memref_slice %arg3[%add3A, %dma_start3A_21] : memref<2560x128xi32, #tpu.memory_space<hbm>> -> memref<40x128xi32, #tpu.memory_space<hbm>>
        tpu.enqueue_dma source(%dma_start3A_22 : memref<40x128xi32, #tpu.memory_space<hbm>>) target(%arg8 : memref<40x128xi32, #tpu.memory_space<vmem>>) target_semaphore(%run_scoped3A : memref<!tpu.dma_semaphore, #tpu.memory_space<semaphore_mem>>)
        %dma_wait3A = arith.constant 0 : i32
        %dma_wait3A_23 = tpu.memref_slice %arg3[%add3A, %dma_wait3A] : memref<2560x128xi32, #tpu.memory_space<hbm>> -> memref<40x128xi32, #tpu.memory_space<hbm>>
        %dma_wait3A_24 = arith.constant 0 : i32
        %dma_wait3A_25 = tpu.memref_slice %arg3[%add3A, %dma_wait3A_24] : memref<2560x128xi32, #tpu.memory_space<hbm>> -> memref<40x128xi32, #tpu.memory_space<hbm>>
        tpu.wait_dma2 semaphore(%run_scoped3A : memref<!tpu.dma_semaphore, #tpu.memory_space<semaphore_mem>>) src(%dma_wait3A_25 : memref<40x128xi32, #tpu.memory_space<hbm>>) dst(%arg8 : memref<40x128xi32, #tpu.memory_space<vmem>>)
        tpu.yield
      }) : () -> ()
      "tpu.region"() ({
        %run_scoped3A = tpu.sem_alloc : memref<!tpu.dma_semaphore, #tpu.memory_space<semaphore_mem>>
        %dma_start3A = arith.constant 0 : i32
        %dma_start3A_20 = tpu.memref_slice %arg4[%add3A, %dma_start3A] : memref<2560x128xi32, #tpu.memory_space<hbm>> -> memref<40x128xi32, #tpu.memory_space<hbm>>
        %dma_start3A_21 = arith.constant 0 : i32
        %dma_start3A_22 = tpu.memref_slice %arg4[%add3A, %dma_start3A_21] : memref<2560x128xi32, #tpu.memory_space<hbm>> -> memref<40x128xi32, #tpu.memory_space<hbm>>
        tpu.enqueue_dma source(%dma_start3A_22 : memref<40x128xi32, #tpu.memory_space<hbm>>) target(%arg9 : memref<40x128xi32, #tpu.memory_space<vmem>>) target_semaphore(%run_scoped3A : memref<!tpu.dma_semaphore, #tpu.memory_space<semaphore_mem>>)
        %dma_wait3A = arith.constant 0 : i32
        %dma_wait3A_23 = tpu.memref_slice %arg4[%add3A, %dma_wait3A] : memref<2560x128xi32, #tpu.memory_space<hbm>> -> memref<40x128xi32, #tpu.memory_space<hbm>>
        %dma_wait3A_24 = arith.constant 0 : i32
        %dma_wait3A_25 = tpu.memref_slice %arg4[%add3A, %dma_wait3A_24] : memref<2560x128xi32, #tpu.memory_space<hbm>> -> memref<40x128xi32, #tpu.memory_space<hbm>>
        tpu.wait_dma2 semaphore(%run_scoped3A : memref<!tpu.dma_semaphore, #tpu.memory_space<semaphore_mem>>) src(%dma_wait3A_25 : memref<40x128xi32, #tpu.memory_space<hbm>>) dst(%arg9 : memref<40x128xi32, #tpu.memory_space<vmem>>)
        tpu.yield
      }) : () -> ()
      %scan3A_14 = arith.constant 0 : i32
      %scan3A_15 = arith.constant 0 : i32
      %scan3A_16 = arith.constant 10 : i32
      %scan3A_17 = arith.addi %scan3A_15, %scan3A_16 : i32
      %scan3A_18 = arith.constant 1 : i32
      scf.for %scan3A_20 = %scan3A_15 to %scan3A_17 step %scan3A_18  : i32 {
        %mul3A_21 = arith.constant 4 : i32
        %mul3A_22 = arith.muli %mul3A_21, %scan3A_20 : i32
        %add3A_23 = arith.constant 0 : i32
        %add3A_24 = arith.addi %mul3A_22, %add3A_23 : i32
        %dma_start3A = arith.constant 0 : i32
        %dma_start3A_25 = arith.constant 0 : i32
        %dma_start3A_26 = tpu.memref_slice %arg8[%add3A_24, %dma_start3A_25] : memref<40x128xi32, #tpu.memory_space<vmem>> -> memref<1x128xi32, #tpu.memory_space<vmem>>
        %dma_start3A_27 = tpu.memref_squeeze %dma_start3A_26 : memref<1x128xi32, #tpu.memory_space<vmem>> -> memref<128xi32, #tpu.memory_space<vmem>>
        %dma_start3A_28 = arith.constant 0 : i32
        %dma_start3A_29 = arith.constant 0 : i32
        %dma_start3A_30 = tpu.memref_slice %arg6[%dma_start3A_28, %dma_start3A_29] : memref<10000x64xf32, #tpu.memory_space<vmem_shared>> -> memref<10000x64xf32, #tpu.memory_space<vmem_shared>>
        %dma_start3A_31 = tpu.memref_slice %arg14[%dma_start3A] : memref<4x!tpu.dma_semaphore, #tpu.memory_space<semaphore_mem>> -> memref<1x!tpu.dma_semaphore, #tpu.memory_space<semaphore_mem>>
        %dma_start3A_32 = tpu.memref_squeeze %dma_start3A_31 : memref<1x!tpu.dma_semaphore, #tpu.memory_space<semaphore_mem>> -> memref<!tpu.dma_semaphore, #tpu.memory_space<semaphore_mem>>
        tpu.enqueue_indirect_dma source(%dma_start3A_30 : memref<10000x64xf32, #tpu.memory_space<vmem_shared>>) target(%arg10 : memref<128x64xf32, #tpu.memory_space<vmem>>) offsets(%dma_start3A_27 : memref<128xi32, #tpu.memory_space<vmem>>) semaphore(%dma_start3A_32 : memref<!tpu.dma_semaphore, #tpu.memory_space<semaphore_mem>>)
        %add3A_33 = arith.constant 1 : i32
        %add3A_34 = arith.addi %mul3A_22, %add3A_33 : i32
        %dma_start3A_35 = arith.constant 1 : i32
        %dma_start3A_36 = arith.constant 0 : i32
        %dma_start3A_37 = tpu.memref_slice %arg8[%add3A_34, %dma_start3A_36] : memref<40x128xi32, #tpu.memory_space<vmem>> -> memref<1x128xi32, #tpu.memory_space<vmem>>
        %dma_start3A_38 = tpu.memref_squeeze %dma_start3A_37 : memref<1x128xi32, #tpu.memory_space<vmem>> -> memref<128xi32, #tpu.memory_space<vmem>>
        %dma_start3A_39 = arith.constant 0 : i32
        %dma_start3A_40 = arith.constant 0 : i32
        %dma_start3A_41 = tpu.memref_slice %arg6[%dma_start3A_39, %dma_start3A_40] : memref<10000x64xf32, #tpu.memory_space<vmem_shared>> -> memref<10000x64xf32, #tpu.memory_space<vmem_shared>>
        %dma_start3A_42 = tpu.memref_slice %arg14[%dma_start3A_35] : memref<4x!tpu.dma_semaphore, #tpu.memory_space<semaphore_mem>> -> memref<1x!tpu.dma_semaphore, #tpu.memory_space<semaphore_mem>>
        %dma_start3A_43 = tpu.memref_squeeze %dma_start3A_42 : memref<1x!tpu.dma_semaphore, #tpu.memory_space<semaphore_mem>> -> memref<!tpu.dma_semaphore, #tpu.memory_space<semaphore_mem>>
        tpu.enqueue_indirect_dma source(%dma_start3A_41 : memref<10000x64xf32, #tpu.memory_space<vmem_shared>>) target(%arg11 : memref<128x64xf32, #tpu.memory_space<vmem>>) offsets(%dma_start3A_38 : memref<128xi32, #tpu.memory_space<vmem>>) semaphore(%dma_start3A_43 : memref<!tpu.dma_semaphore, #tpu.memory_space<semaphore_mem>>)
        %add3A_44 = arith.constant 2 : i32
        %add3A_45 = arith.addi %mul3A_22, %add3A_44 : i32
        %dma_start3A_46 = arith.constant 2 : i32
        %dma_start3A_47 = arith.constant 0 : i32
        %dma_start3A_48 = tpu.memref_slice %arg8[%add3A_45, %dma_start3A_47] : memref<40x128xi32, #tpu.memory_space<vmem>> -> memref<1x128xi32, #tpu.memory_space<vmem>>
        %dma_start3A_49 = tpu.memref_squeeze %dma_start3A_48 : memref<1x128xi32, #tpu.memory_space<vmem>> -> memref<128xi32, #tpu.memory_space<vmem>>
        %dma_start3A_50 = arith.constant 0 : i32
        %dma_start3A_51 = arith.constant 0 : i32
        %dma_start3A_52 = tpu.memref_slice %arg6[%dma_start3A_50, %dma_start3A_51] : memref<10000x64xf32, #tpu.memory_space<vmem_shared>> -> memref<10000x64xf32, #tpu.memory_space<vmem_shared>>
        %dma_start3A_53 = tpu.memref_slice %arg14[%dma_start3A_46] : memref<4x!tpu.dma_semaphore, #tpu.memory_space<semaphore_mem>> -> memref<1x!tpu.dma_semaphore, #tpu.memory_space<semaphore_mem>>
        %dma_start3A_54 = tpu.memref_squeeze %dma_start3A_53 : memref<1x!tpu.dma_semaphore, #tpu.memory_space<semaphore_mem>> -> memref<!tpu.dma_semaphore, #tpu.memory_space<semaphore_mem>>
        tpu.enqueue_indirect_dma source(%dma_start3A_52 : memref<10000x64xf32, #tpu.memory_space<vmem_shared>>) target(%arg12 : memref<128x64xf32, #tpu.memory_space<vmem>>) offsets(%dma_start3A_49 : memref<128xi32, #tpu.memory_space<vmem>>) semaphore(%dma_start3A_54 : memref<!tpu.dma_semaphore, #tpu.memory_space<semaphore_mem>>)
        %add3A_55 = arith.constant 3 : i32
        %add3A_56 = arith.addi %mul3A_22, %add3A_55 : i32
        %dma_start3A_57 = arith.constant 3 : i32
        %dma_start3A_58 = arith.constant 0 : i32
        %dma_start3A_59 = tpu.memref_slice %arg8[%add3A_56, %dma_start3A_58] : memref<40x128xi32, #tpu.memory_space<vmem>> -> memref<1x128xi32, #tpu.memory_space<vmem>>
        %dma_start3A_60 = tpu.memref_squeeze %dma_start3A_59 : memref<1x128xi32, #tpu.memory_space<vmem>> -> memref<128xi32, #tpu.memory_space<vmem>>
        %dma_start3A_61 = arith.constant 0 : i32
        %dma_start3A_62 = arith.constant 0 : i32
        %dma_start3A_63 = tpu.memref_slice %arg6[%dma_start3A_61, %dma_start3A_62] : memref<10000x64xf32, #tpu.memory_space<vmem_shared>> -> memref<10000x64xf32, #tpu.memory_space<vmem_shared>>
        %dma_start3A_64 = tpu.memref_slice %arg14[%dma_start3A_57] : memref<4x!tpu.dma_semaphore, #tpu.memory_space<semaphore_mem>> -> memref<1x!tpu.dma_semaphore, #tpu.memory_space<semaphore_mem>>
        %dma_start3A_65 = tpu.memref_squeeze %dma_start3A_64 : memref<1x!tpu.dma_semaphore, #tpu.memory_space<semaphore_mem>> -> memref<!tpu.dma_semaphore, #tpu.memory_space<semaphore_mem>>
        tpu.enqueue_indirect_dma source(%dma_start3A_63 : memref<10000x64xf32, #tpu.memory_space<vmem_shared>>) target(%arg13 : memref<128x64xf32, #tpu.memory_space<vmem>>) offsets(%dma_start3A_60 : memref<128xi32, #tpu.memory_space<vmem>>) semaphore(%dma_start3A_65 : memref<!tpu.dma_semaphore, #tpu.memory_space<semaphore_mem>>)
        %add3A_66 = arith.constant 0 : i32
        %add3A_67 = arith.addi %mul3A_22, %add3A_66 : i32
        %dma_wait3A = arith.constant 0 : i32
        %dma_wait3A_68 = arith.constant 0 : i32
        %dma_wait3A_69 = tpu.memref_slice %arg8[%add3A_67, %dma_wait3A_68] : memref<40x128xi32, #tpu.memory_space<vmem>> -> memref<1x128xi32, #tpu.memory_space<vmem>>
        %dma_wait3A_70 = tpu.memref_squeeze %dma_wait3A_69 : memref<1x128xi32, #tpu.memory_space<vmem>> -> memref<128xi32, #tpu.memory_space<vmem>>
        %dma_wait3A_71 = arith.constant 0 : i32
        %dma_wait3A_72 = arith.constant 0 : i32
        %dma_wait3A_73 = tpu.memref_slice %arg6[%dma_wait3A_71, %dma_wait3A_72] : memref<10000x64xf32, #tpu.memory_space<vmem_shared>> -> memref<10000x64xf32, #tpu.memory_space<vmem_shared>>
        %dma_wait3A_74 = tpu.memref_slice %arg14[%dma_wait3A] : memref<4x!tpu.dma_semaphore, #tpu.memory_space<semaphore_mem>> -> memref<1x!tpu.dma_semaphore, #tpu.memory_space<semaphore_mem>>
        %dma_wait3A_75 = tpu.memref_squeeze %dma_wait3A_74 : memref<1x!tpu.dma_semaphore, #tpu.memory_space<semaphore_mem>> -> memref<!tpu.dma_semaphore, #tpu.memory_space<semaphore_mem>>
        tpu.wait_indirect_dma semaphore(%dma_wait3A_75 : memref<!tpu.dma_semaphore, #tpu.memory_space<semaphore_mem>>) src(%dma_wait3A_73 : memref<10000x64xf32, #tpu.memory_space<vmem_shared>>) dst(%arg10 : memref<128x64xf32, #tpu.memory_space<vmem>>)
        %add3A_76 = arith.constant 0 : i32
        %add3A_77 = arith.addi %mul3A_22, %add3A_76 : i32
        %dma_start3A_78 = arith.constant 0 : i32
        %dma_start3A_79 = arith.constant 0 : i32
        %dma_start3A_80 = tpu.memref_slice %arg9[%add3A_77, %dma_start3A_79] : memref<40x128xi32, #tpu.memory_space<vmem>> -> memref<1x128xi32, #tpu.memory_space<vmem>>
        %dma_start3A_81 = tpu.memref_squeeze %dma_start3A_80 : memref<1x128xi32, #tpu.memory_space<vmem>> -> memref<128xi32, #tpu.memory_space<vmem>>
        %dma_start3A_82 = arith.constant 0 : i32
        %dma_start3A_83 = arith.constant 0 : i32
        %dma_start3A_84 = tpu.memref_slice %arg7[%dma_start3A_82, %dma_start3A_83] : memref<10008x64xf32, #tpu.memory_space<vmem_shared>> -> memref<10008x64xf32, #tpu.memory_space<vmem_shared>>
        %dma_start3A_85 = tpu.memref_slice %arg15[%dma_start3A_78] : memref<4x!tpu.dma_semaphore, #tpu.memory_space<semaphore_mem>> -> memref<1x!tpu.dma_semaphore, #tpu.memory_space<semaphore_mem>>
        %dma_start3A_86 = tpu.memref_squeeze %dma_start3A_85 : memref<1x!tpu.dma_semaphore, #tpu.memory_space<semaphore_mem>> -> memref<!tpu.dma_semaphore, #tpu.memory_space<semaphore_mem>>
        tpu.enqueue_indirect_dma source(%arg10 : memref<128x64xf32, #tpu.memory_space<vmem>>) target(%dma_start3A_84 : memref<10008x64xf32, #tpu.memory_space<vmem_shared>>) offsets(%dma_start3A_81 : memref<128xi32, #tpu.memory_space<vmem>>) semaphore(%dma_start3A_86 : memref<!tpu.dma_semaphore, #tpu.memory_space<semaphore_mem>>) {add = true}
        %add3A_87 = arith.constant 1 : i32
        %add3A_88 = arith.addi %mul3A_22, %add3A_87 : i32
        %dma_wait3A_89 = arith.constant 1 : i32
        %dma_wait3A_90 = arith.constant 0 : i32
        %dma_wait3A_91 = tpu.memref_slice %arg8[%add3A_88, %dma_wait3A_90] : memref<40x128xi32, #tpu.memory_space<vmem>> -> memref<1x128xi32, #tpu.memory_space<vmem>>
        %dma_wait3A_92 = tpu.memref_squeeze %dma_wait3A_91 : memref<1x128xi32, #tpu.memory_space<vmem>> -> memref<128xi32, #tpu.memory_space<vmem>>
        %dma_wait3A_93 = arith.constant 0 : i32
        %dma_wait3A_94 = arith.constant 0 : i32
        %dma_wait3A_95 = tpu.memref_slice %arg6[%dma_wait3A_93, %dma_wait3A_94] : memref<10000x64xf32, #tpu.memory_space<vmem_shared>> -> memref<10000x64xf32, #tpu.memory_space<vmem_shared>>
        %dma_wait3A_96 = tpu.memref_slice %arg14[%dma_wait3A_89] : memref<4x!tpu.dma_semaphore, #tpu.memory_space<semaphore_mem>> -> memref<1x!tpu.dma_semaphore, #tpu.memory_space<semaphore_mem>>
        %dma_wait3A_97 = tpu.memref_squeeze %dma_wait3A_96 : memref<1x!tpu.dma_semaphore, #tpu.memory_space<semaphore_mem>> -> memref<!tpu.dma_semaphore, #tpu.memory_space<semaphore_mem>>
        tpu.wait_indirect_dma semaphore(%dma_wait3A_97 : memref<!tpu.dma_semaphore, #tpu.memory_space<semaphore_mem>>) src(%dma_wait3A_95 : memref<10000x64xf32, #tpu.memory_space<vmem_shared>>) dst(%arg11 : memref<128x64xf32, #tpu.memory_space<vmem>>)
        %add3A_98 = arith.constant 1 : i32
        %add3A_99 = arith.addi %mul3A_22, %add3A_98 : i32
        %dma_start3A_100 = arith.constant 1 : i32
        %dma_start3A_101 = arith.constant 0 : i32
        %dma_start3A_102 = tpu.memref_slice %arg9[%add3A_99, %dma_start3A_101] : memref<40x128xi32, #tpu.memory_space<vmem>> -> memref<1x128xi32, #tpu.memory_space<vmem>>
        %dma_start3A_103 = tpu.memref_squeeze %dma_start3A_102 : memref<1x128xi32, #tpu.memory_space<vmem>> -> memref<128xi32, #tpu.memory_space<vmem>>
        %dma_start3A_104 = arith.constant 0 : i32
        %dma_start3A_105 = arith.constant 0 : i32
        %dma_start3A_106 = tpu.memref_slice %arg7[%dma_start3A_104, %dma_start3A_105] : memref<10008x64xf32, #tpu.memory_space<vmem_shared>> -> memref<10008x64xf32, #tpu.memory_space<vmem_shared>>
        %dma_start3A_107 = tpu.memref_slice %arg15[%dma_start3A_100] : memref<4x!tpu.dma_semaphore, #tpu.memory_space<semaphore_mem>> -> memref<1x!tpu.dma_semaphore, #tpu.memory_space<semaphore_mem>>
        %dma_start3A_108 = tpu.memref_squeeze %dma_start3A_107 : memref<1x!tpu.dma_semaphore, #tpu.memory_space<semaphore_mem>> -> memref<!tpu.dma_semaphore, #tpu.memory_space<semaphore_mem>>
        tpu.enqueue_indirect_dma source(%arg11 : memref<128x64xf32, #tpu.memory_space<vmem>>) target(%dma_start3A_106 : memref<10008x64xf32, #tpu.memory_space<vmem_shared>>) offsets(%dma_start3A_103 : memref<128xi32, #tpu.memory_space<vmem>>) semaphore(%dma_start3A_108 : memref<!tpu.dma_semaphore, #tpu.memory_space<semaphore_mem>>) {add = true}
        %add3A_109 = arith.constant 2 : i32
        %add3A_110 = arith.addi %mul3A_22, %add3A_109 : i32
        %dma_wait3A_111 = arith.constant 2 : i32
        %dma_wait3A_112 = arith.constant 0 : i32
        %dma_wait3A_113 = tpu.memref_slice %arg8[%add3A_110, %dma_wait3A_112] : memref<40x128xi32, #tpu.memory_space<vmem>> -> memref<1x128xi32, #tpu.memory_space<vmem>>
        %dma_wait3A_114 = tpu.memref_squeeze %dma_wait3A_113 : memref<1x128xi32, #tpu.memory_space<vmem>> -> memref<128xi32, #tpu.memory_space<vmem>>
        %dma_wait3A_115 = arith.constant 0 : i32
        %dma_wait3A_116 = arith.constant 0 : i32
        %dma_wait3A_117 = tpu.memref_slice %arg6[%dma_wait3A_115, %dma_wait3A_116] : memref<10000x64xf32, #tpu.memory_space<vmem_shared>> -> memref<10000x64xf32, #tpu.memory_space<vmem_shared>>
        %dma_wait3A_118 = tpu.memref_slice %arg14[%dma_wait3A_111] : memref<4x!tpu.dma_semaphore, #tpu.memory_space<semaphore_mem>> -> memref<1x!tpu.dma_semaphore, #tpu.memory_space<semaphore_mem>>
        %dma_wait3A_119 = tpu.memref_squeeze %dma_wait3A_118 : memref<1x!tpu.dma_semaphore, #tpu.memory_space<semaphore_mem>> -> memref<!tpu.dma_semaphore, #tpu.memory_space<semaphore_mem>>
        tpu.wait_indirect_dma semaphore(%dma_wait3A_119 : memref<!tpu.dma_semaphore, #tpu.memory_space<semaphore_mem>>) src(%dma_wait3A_117 : memref<10000x64xf32, #tpu.memory_space<vmem_shared>>) dst(%arg12 : memref<128x64xf32, #tpu.memory_space<vmem>>)
        %add3A_120 = arith.constant 2 : i32
        %add3A_121 = arith.addi %mul3A_22, %add3A_120 : i32
        %dma_start3A_122 = arith.constant 2 : i32
        %dma_start3A_123 = arith.constant 0 : i32
        %dma_start3A_124 = tpu.memref_slice %arg9[%add3A_121, %dma_start3A_123] : memref<40x128xi32, #tpu.memory_space<vmem>> -> memref<1x128xi32, #tpu.memory_space<vmem>>
        %dma_start3A_125 = tpu.memref_squeeze %dma_start3A_124 : memref<1x128xi32, #tpu.memory_space<vmem>> -> memref<128xi32, #tpu.memory_space<vmem>>
        %dma_start3A_126 = arith.constant 0 : i32
        %dma_start3A_127 = arith.constant 0 : i32
        %dma_start3A_128 = tpu.memref_slice %arg7[%dma_start3A_126, %dma_start3A_127] : memref<10008x64xf32, #tpu.memory_space<vmem_shared>> -> memref<10008x64xf32, #tpu.memory_space<vmem_shared>>
        %dma_start3A_129 = tpu.memref_slice %arg15[%dma_start3A_122] : memref<4x!tpu.dma_semaphore, #tpu.memory_space<semaphore_mem>> -> memref<1x!tpu.dma_semaphore, #tpu.memory_space<semaphore_mem>>
        %dma_start3A_130 = tpu.memref_squeeze %dma_start3A_129 : memref<1x!tpu.dma_semaphore, #tpu.memory_space<semaphore_mem>> -> memref<!tpu.dma_semaphore, #tpu.memory_space<semaphore_mem>>
        tpu.enqueue_indirect_dma source(%arg12 : memref<128x64xf32, #tpu.memory_space<vmem>>) target(%dma_start3A_128 : memref<10008x64xf32, #tpu.memory_space<vmem_shared>>) offsets(%dma_start3A_125 : memref<128xi32, #tpu.memory_space<vmem>>) semaphore(%dma_start3A_130 : memref<!tpu.dma_semaphore, #tpu.memory_space<semaphore_mem>>) {add = true}
        %add3A_131 = arith.constant 3 : i32
        %add3A_132 = arith.addi %mul3A_22, %add3A_131 : i32
        %dma_wait3A_133 = arith.constant 3 : i32
        %dma_wait3A_134 = arith.constant 0 : i32
        %dma_wait3A_135 = tpu.memref_slice %arg8[%add3A_132, %dma_wait3A_134] : memref<40x128xi32, #tpu.memory_space<vmem>> -> memref<1x128xi32, #tpu.memory_space<vmem>>
        %dma_wait3A_136 = tpu.memref_squeeze %dma_wait3A_135 : memref<1x128xi32, #tpu.memory_space<vmem>> -> memref<128xi32, #tpu.memory_space<vmem>>
        %dma_wait3A_137 = arith.constant 0 : i32
        %dma_wait3A_138 = arith.constant 0 : i32
        %dma_wait3A_139 = tpu.memref_slice %arg6[%dma_wait3A_137, %dma_wait3A_138] : memref<10000x64xf32, #tpu.memory_space<vmem_shared>> -> memref<10000x64xf32, #tpu.memory_space<vmem_shared>>
        %dma_wait3A_140 = tpu.memref_slice %arg14[%dma_wait3A_133] : memref<4x!tpu.dma_semaphore, #tpu.memory_space<semaphore_mem>> -> memref<1x!tpu.dma_semaphore, #tpu.memory_space<semaphore_mem>>
        %dma_wait3A_141 = tpu.memref_squeeze %dma_wait3A_140 : memref<1x!tpu.dma_semaphore, #tpu.memory_space<semaphore_mem>> -> memref<!tpu.dma_semaphore, #tpu.memory_space<semaphore_mem>>
        tpu.wait_indirect_dma semaphore(%dma_wait3A_141 : memref<!tpu.dma_semaphore, #tpu.memory_space<semaphore_mem>>) src(%dma_wait3A_139 : memref<10000x64xf32, #tpu.memory_space<vmem_shared>>) dst(%arg13 : memref<128x64xf32, #tpu.memory_space<vmem>>)
        %add3A_142 = arith.constant 3 : i32
        %add3A_143 = arith.addi %mul3A_22, %add3A_142 : i32
        %dma_start3A_144 = arith.constant 3 : i32
        %dma_start3A_145 = arith.constant 0 : i32
        %dma_start3A_146 = tpu.memref_slice %arg9[%add3A_143, %dma_start3A_145] : memref<40x128xi32, #tpu.memory_space<vmem>> -> memref<1x128xi32, #tpu.memory_space<vmem>>
        %dma_start3A_147 = tpu.memref_squeeze %dma_start3A_146 : memref<1x128xi32, #tpu.memory_space<vmem>> -> memref<128xi32, #tpu.memory_space<vmem>>
        %dma_start3A_148 = arith.constant 0 : i32
        %dma_start3A_149 = arith.constant 0 : i32
        %dma_start3A_150 = tpu.memref_slice %arg7[%dma_start3A_148, %dma_start3A_149] : memref<10008x64xf32, #tpu.memory_space<vmem_shared>> -> memref<10008x64xf32, #tpu.memory_space<vmem_shared>>
        %dma_start3A_151 = tpu.memref_slice %arg15[%dma_start3A_144] : memref<4x!tpu.dma_semaphore, #tpu.memory_space<semaphore_mem>> -> memref<1x!tpu.dma_semaphore, #tpu.memory_space<semaphore_mem>>
        %dma_start3A_152 = tpu.memref_squeeze %dma_start3A_151 : memref<1x!tpu.dma_semaphore, #tpu.memory_space<semaphore_mem>> -> memref<!tpu.dma_semaphore, #tpu.memory_space<semaphore_mem>>
        tpu.enqueue_indirect_dma source(%arg13 : memref<128x64xf32, #tpu.memory_space<vmem>>) target(%dma_start3A_150 : memref<10008x64xf32, #tpu.memory_space<vmem_shared>>) offsets(%dma_start3A_147 : memref<128xi32, #tpu.memory_space<vmem>>) semaphore(%dma_start3A_152 : memref<!tpu.dma_semaphore, #tpu.memory_space<semaphore_mem>>) {add = true}
        %add3A_153 = arith.constant 0 : i32
        %add3A_154 = arith.addi %mul3A_22, %add3A_153 : i32
        %dma_wait3A_155 = arith.constant 0 : i32
        %dma_wait3A_156 = arith.constant 0 : i32
        %dma_wait3A_157 = tpu.memref_slice %arg9[%add3A_154, %dma_wait3A_156] : memref<40x128xi32, #tpu.memory_space<vmem>> -> memref<1x128xi32, #tpu.memory_space<vmem>>
        %dma_wait3A_158 = tpu.memref_squeeze %dma_wait3A_157 : memref<1x128xi32, #tpu.memory_space<vmem>> -> memref<128xi32, #tpu.memory_space<vmem>>
        %dma_wait3A_159 = arith.constant 0 : i32
        %dma_wait3A_160 = arith.constant 0 : i32
        %dma_wait3A_161 = tpu.memref_slice %arg7[%dma_wait3A_159, %dma_wait3A_160] : memref<10008x64xf32, #tpu.memory_space<vmem_shared>> -> memref<10008x64xf32, #tpu.memory_space<vmem_shared>>
        %dma_wait3A_162 = tpu.memref_slice %arg15[%dma_wait3A_155] : memref<4x!tpu.dma_semaphore, #tpu.memory_space<semaphore_mem>> -> memref<1x!tpu.dma_semaphore, #tpu.memory_space<semaphore_mem>>
        %dma_wait3A_163 = tpu.memref_squeeze %dma_wait3A_162 : memref<1x!tpu.dma_semaphore, #tpu.memory_space<semaphore_mem>> -> memref<!tpu.dma_semaphore, #tpu.memory_space<semaphore_mem>>
        tpu.wait_indirect_dma semaphore(%dma_wait3A_163 : memref<!tpu.dma_semaphore, #tpu.memory_space<semaphore_mem>>) src(%arg10 : memref<128x64xf32, #tpu.memory_space<vmem>>) dst(%dma_wait3A_161 : memref<10008x64xf32, #tpu.memory_space<vmem_shared>>)
        %add3A_164 = arith.constant 1 : i32
        %add3A_165 = arith.addi %mul3A_22, %add3A_164 : i32
        %dma_wait3A_166 = arith.constant 1 : i32
        %dma_wait3A_167 = arith.constant 0 : i32
        %dma_wait3A_168 = tpu.memref_slice %arg9[%add3A_165, %dma_wait3A_167] : memref<40x128xi32, #tpu.memory_space<vmem>> -> memref<1x128xi32, #tpu.memory_space<vmem>>
        %dma_wait3A_169 = tpu.memref_squeeze %dma_wait3A_168 : memref<1x128xi32, #tpu.memory_space<vmem>> -> memref<128xi32, #tpu.memory_space<vmem>>
        %dma_wait3A_170 = arith.constant 0 : i32
        %dma_wait3A_171 = arith.constant 0 : i32
        %dma_wait3A_172 = tpu.memref_slice %arg7[%dma_wait3A_170, %dma_wait3A_171] : memref<10008x64xf32, #tpu.memory_space<vmem_shared>> -> memref<10008x64xf32, #tpu.memory_space<vmem_shared>>
        %dma_wait3A_173 = tpu.memref_slice %arg15[%dma_wait3A_166] : memref<4x!tpu.dma_semaphore, #tpu.memory_space<semaphore_mem>> -> memref<1x!tpu.dma_semaphore, #tpu.memory_space<semaphore_mem>>
        %dma_wait3A_174 = tpu.memref_squeeze %dma_wait3A_173 : memref<1x!tpu.dma_semaphore, #tpu.memory_space<semaphore_mem>> -> memref<!tpu.dma_semaphore, #tpu.memory_space<semaphore_mem>>
        tpu.wait_indirect_dma semaphore(%dma_wait3A_174 : memref<!tpu.dma_semaphore, #tpu.memory_space<semaphore_mem>>) src(%arg11 : memref<128x64xf32, #tpu.memory_space<vmem>>) dst(%dma_wait3A_172 : memref<10008x64xf32, #tpu.memory_space<vmem_shared>>)
        %add3A_175 = arith.constant 2 : i32
        %add3A_176 = arith.addi %mul3A_22, %add3A_175 : i32
        %dma_wait3A_177 = arith.constant 2 : i32
        %dma_wait3A_178 = arith.constant 0 : i32
        %dma_wait3A_179 = tpu.memref_slice %arg9[%add3A_176, %dma_wait3A_178] : memref<40x128xi32, #tpu.memory_space<vmem>> -> memref<1x128xi32, #tpu.memory_space<vmem>>
        %dma_wait3A_180 = tpu.memref_squeeze %dma_wait3A_179 : memref<1x128xi32, #tpu.memory_space<vmem>> -> memref<128xi32, #tpu.memory_space<vmem>>
        %dma_wait3A_181 = arith.constant 0 : i32
        %dma_wait3A_182 = arith.constant 0 : i32
        %dma_wait3A_183 = tpu.memref_slice %arg7[%dma_wait3A_181, %dma_wait3A_182] : memref<10008x64xf32, #tpu.memory_space<vmem_shared>> -> memref<10008x64xf32, #tpu.memory_space<vmem_shared>>
        %dma_wait3A_184 = tpu.memref_slice %arg15[%dma_wait3A_177] : memref<4x!tpu.dma_semaphore, #tpu.memory_space<semaphore_mem>> -> memref<1x!tpu.dma_semaphore, #tpu.memory_space<semaphore_mem>>
        %dma_wait3A_185 = tpu.memref_squeeze %dma_wait3A_184 : memref<1x!tpu.dma_semaphore, #tpu.memory_space<semaphore_mem>> -> memref<!tpu.dma_semaphore, #tpu.memory_space<semaphore_mem>>
        tpu.wait_indirect_dma semaphore(%dma_wait3A_185 : memref<!tpu.dma_semaphore, #tpu.memory_space<semaphore_mem>>) src(%arg12 : memref<128x64xf32, #tpu.memory_space<vmem>>) dst(%dma_wait3A_183 : memref<10008x64xf32, #tpu.memory_space<vmem_shared>>)
        %add3A_186 = arith.constant 3 : i32
        %add3A_187 = arith.addi %mul3A_22, %add3A_186 : i32
        %dma_wait3A_188 = arith.constant 3 : i32
        %dma_wait3A_189 = arith.constant 0 : i32
        %dma_wait3A_190 = tpu.memref_slice %arg9[%add3A_187, %dma_wait3A_189] : memref<40x128xi32, #tpu.memory_space<vmem>> -> memref<1x128xi32, #tpu.memory_space<vmem>>
        %dma_wait3A_191 = tpu.memref_squeeze %dma_wait3A_190 : memref<1x128xi32, #tpu.memory_space<vmem>> -> memref<128xi32, #tpu.memory_space<vmem>>
        %dma_wait3A_192 = arith.constant 0 : i32
        %dma_wait3A_193 = arith.constant 0 : i32
        %dma_wait3A_194 = tpu.memref_slice %arg7[%dma_wait3A_192, %dma_wait3A_193] : memref<10008x64xf32, #tpu.memory_space<vmem_shared>> -> memref<10008x64xf32, #tpu.memory_space<vmem_shared>>
        %dma_wait3A_195 = tpu.memref_slice %arg15[%dma_wait3A_188] : memref<4x!tpu.dma_semaphore, #tpu.memory_space<semaphore_mem>> -> memref<1x!tpu.dma_semaphore, #tpu.memory_space<semaphore_mem>>
        %dma_wait3A_196 = tpu.memref_squeeze %dma_wait3A_195 : memref<1x!tpu.dma_semaphore, #tpu.memory_space<semaphore_mem>> -> memref<!tpu.dma_semaphore, #tpu.memory_space<semaphore_mem>>
        tpu.wait_indirect_dma semaphore(%dma_wait3A_196 : memref<!tpu.dma_semaphore, #tpu.memory_space<semaphore_mem>>) src(%arg13 : memref<128x64xf32, #tpu.memory_space<vmem>>) dst(%dma_wait3A_194 : memref<10008x64xf32, #tpu.memory_space<vmem_shared>>)
      }
      %scan3A_19 = arith.constant 10 : i32
    }
    %scan3A_7 = arith.constant 4 : i32
    %barrier3A_8 = arith.constant 0 : index
    tpu.barrier barrier_id(%barrier3A_8)
    "tpu.region"() ({
      %run_scoped3A = tpu.sem_alloc : memref<!tpu.dma_semaphore, #tpu.memory_space<semaphore_mem>>
      %dma_start3A = tpu.memref_slice %arg5[%mul3A_2, %mul3A_0] : memref<10000x128xf32, #tpu.memory_space<hbm>> -> memref<625x64xf32, #tpu.memory_space<hbm>>
      %dma_start3A_9 = arith.constant 0 : i32
      %dma_start3A_10 = tpu.memref_slice %arg7[%mul3A_2, %dma_start3A_9] : memref<10008x64xf32, #tpu.memory_space<vmem_shared>> -> memref<625x64xf32, #tpu.memory_space<vmem_shared>>
      tpu.enqueue_dma source(%dma_start3A_10 : memref<625x64xf32, #tpu.memory_space<vmem_shared>>) target(%dma_start3A : memref<625x64xf32, #tpu.memory_space<hbm>>) target_semaphore(%run_scoped3A : memref<!tpu.dma_semaphore, #tpu.memory_space<semaphore_mem>>)
      %dma_wait3A = tpu.memref_slice %arg5[%mul3A_2, %mul3A_0] : memref<10000x128xf32, #tpu.memory_space<hbm>> -> memref<625x64xf32, #tpu.memory_space<hbm>>
      %dma_wait3A_11 = arith.constant 0 : i32
      %dma_wait3A_12 = tpu.memref_slice %arg7[%mul3A_2, %dma_wait3A_11] : memref<10008x64xf32, #tpu.memory_space<vmem_shared>> -> memref<625x64xf32, #tpu.memory_space<vmem_shared>>
      tpu.wait_dma2 semaphore(%run_scoped3A : memref<!tpu.dma_semaphore, #tpu.memory_space<semaphore_mem>>) src(%dma_wait3A_12 : memref<625x64xf32, #tpu.memory_space<vmem_shared>>) dst(%dma_wait3A : memref<625x64xf32, #tpu.memory_space<hbm>>)
      tpu.yield
    }) : () -> ()
    return
  }
}

#map = affine_map<(d0, d1) -> (0, 0)>
module attributes {stable_mosaic.version = 14 : i64} {
  func.func @_agg_body(%arg0: i32, %arg1: i32, %arg2: memref<10000x128xf32, #tpu.memory_space<hbm>>, %arg3: memref<2560x128xi32, #tpu.memory_space<hbm>>, %arg4: memref<2560x128xi32, #tpu.memory_space<hbm>>, %arg5: memref<10000x128xf32, #tpu.memory_space<hbm>>, %arg6: memref<10000x64xf32, #tpu.memory_space<vmem_shared>>, %arg7: memref<10008x64xf32, #tpu.memory_space<vmem_shared>>, %arg8: memref<40x128xi32, #tpu.memory_space<vmem>>, %arg9: memref<40x128xi32, #tpu.memory_space<vmem>>, %arg10: memref<128x64xf32, #tpu.memory_space<vmem>>, %arg11: memref<128x64xf32, #tpu.memory_space<vmem>>, %arg12: memref<128x64xf32, #tpu.memory_space<vmem>>, %arg13: memref<128x64xf32, #tpu.memory_space<vmem>>, %arg14: memref<4x!tpu.dma_semaphore, #tpu.memory_space<semaphore_mem>>, %arg15: memref<4x!tpu.dma_semaphore, #tpu.memory_space<semaphore_mem>>) attributes {dimension_semantics = [#tpu.dimension_semantics<core_parallel>, #tpu.dimension_semantics<subcore_parallel>], iteration_bounds = array<i64: 2, 16>, scalar_prefetch = 0 : i64, scratch_operands = 10 : i64, tpu.core_type = #tpu.core_type<sc_vector_subcore>, window_params = [{transform_indices = #map}, {transform_indices = #map}, {transform_indices = #map}, {transform_indices = #map}]} {
    %mul3A = arith.constant 64 : i32
    %mul3A_0 = arith.muli %arg0, %mul3A : i32
    %mul3A_1 = arith.constant 625 : i32
    %mul3A_2 = arith.muli %arg1, %mul3A_1 : i32
    "tpu.region"() ({
      %run_scoped3A = tpu.sem_alloc : memref<!tpu.dma_semaphore, #tpu.memory_space<semaphore_mem>>
      %dma_start3A = arith.constant 0 : i32
      %dma_start3A_9 = tpu.memref_slice %arg6[%mul3A_2, %dma_start3A] : memref<10000x64xf32, #tpu.memory_space<vmem_shared>> -> memref<625x64xf32, #tpu.memory_space<vmem_shared>>
      %dma_start3A_10 = tpu.memref_slice %arg2[%mul3A_2, %mul3A_0] : memref<10000x128xf32, #tpu.memory_space<hbm>> -> memref<625x64xf32, #tpu.memory_space<hbm>>
      tpu.enqueue_dma source(%dma_start3A_10 : memref<625x64xf32, #tpu.memory_space<hbm>>) target(%dma_start3A_9 : memref<625x64xf32, #tpu.memory_space<vmem_shared>>) target_semaphore(%run_scoped3A : memref<!tpu.dma_semaphore, #tpu.memory_space<semaphore_mem>>)
      %dma_wait3A = arith.constant 0 : i32
      %dma_wait3A_11 = tpu.memref_slice %arg6[%mul3A_2, %dma_wait3A] : memref<10000x64xf32, #tpu.memory_space<vmem_shared>> -> memref<625x64xf32, #tpu.memory_space<vmem_shared>>
      %dma_wait3A_12 = tpu.memref_slice %arg2[%mul3A_2, %mul3A_0] : memref<10000x128xf32, #tpu.memory_space<hbm>> -> memref<625x64xf32, #tpu.memory_space<hbm>>
      tpu.wait_dma2 semaphore(%run_scoped3A : memref<!tpu.dma_semaphore, #tpu.memory_space<semaphore_mem>>) src(%dma_wait3A_12 : memref<625x64xf32, #tpu.memory_space<hbm>>) dst(%dma_wait3A_11 : memref<625x64xf32, #tpu.memory_space<vmem_shared>>)
      tpu.yield
    }) : () -> ()
    "tpu.region"() ({
      %run_scoped3A = tpu.sem_alloc : memref<!tpu.dma_semaphore, #tpu.memory_space<semaphore_mem>>
      %dma_start3A = arith.constant 0 : i32
      %dma_start3A_9 = tpu.memref_slice %arg7[%mul3A_2, %dma_start3A] : memref<10008x64xf32, #tpu.memory_space<vmem_shared>> -> memref<625x64xf32, #tpu.memory_space<vmem_shared>>
      %dma_start3A_10 = tpu.memref_slice %arg2[%mul3A_2, %mul3A_0] : memref<10000x128xf32, #tpu.memory_space<hbm>> -> memref<625x64xf32, #tpu.memory_space<hbm>>
      tpu.enqueue_dma source(%dma_start3A_10 : memref<625x64xf32, #tpu.memory_space<hbm>>) target(%dma_start3A_9 : memref<625x64xf32, #tpu.memory_space<vmem_shared>>) target_semaphore(%run_scoped3A : memref<!tpu.dma_semaphore, #tpu.memory_space<semaphore_mem>>)
      %dma_wait3A = arith.constant 0 : i32
      %dma_wait3A_11 = tpu.memref_slice %arg7[%mul3A_2, %dma_wait3A] : memref<10008x64xf32, #tpu.memory_space<vmem_shared>> -> memref<625x64xf32, #tpu.memory_space<vmem_shared>>
      %dma_wait3A_12 = tpu.memref_slice %arg2[%mul3A_2, %mul3A_0] : memref<10000x128xf32, #tpu.memory_space<hbm>> -> memref<625x64xf32, #tpu.memory_space<hbm>>
      tpu.wait_dma2 semaphore(%run_scoped3A : memref<!tpu.dma_semaphore, #tpu.memory_space<semaphore_mem>>) src(%dma_wait3A_12 : memref<625x64xf32, #tpu.memory_space<hbm>>) dst(%dma_wait3A_11 : memref<625x64xf32, #tpu.memory_space<vmem_shared>>)
      tpu.yield
    }) : () -> ()
    %barrier3A = arith.constant 0 : index
    tpu.barrier barrier_id(%barrier3A)
    %scan3A = arith.constant 0 : i32
    %scan3A_3 = arith.constant 0 : i32
    %scan3A_4 = arith.constant 4 : i32
    %scan3A_5 = arith.addi %scan3A_3, %scan3A_4 : i32
    %scan3A_6 = arith.constant 1 : i32
    scf.for %scan3A_9 = %scan3A_3 to %scan3A_5 step %scan3A_6  : i32 {
      %mul3A_10 = arith.constant 160 : i32
      %mul3A_11 = arith.muli %arg1, %mul3A_10 : i32
      %mul3A_12 = arith.constant 40 : i32
      %mul3A_13 = arith.muli %scan3A_9, %mul3A_12 : i32
      %add3A = arith.addi %mul3A_11, %mul3A_13 : i32
      "tpu.region"() ({
        %run_scoped3A = tpu.sem_alloc : memref<!tpu.dma_semaphore, #tpu.memory_space<semaphore_mem>>
        %dma_start3A = arith.constant 0 : i32
        %dma_start3A_20 = tpu.memref_slice %arg3[%add3A, %dma_start3A] : memref<2560x128xi32, #tpu.memory_space<hbm>> -> memref<40x128xi32, #tpu.memory_space<hbm>>
        %dma_start3A_21 = arith.constant 0 : i32
        %dma_start3A_22 = tpu.memref_slice %arg3[%add3A, %dma_start3A_21] : memref<2560x128xi32, #tpu.memory_space<hbm>> -> memref<40x128xi32, #tpu.memory_space<hbm>>
        tpu.enqueue_dma source(%dma_start3A_22 : memref<40x128xi32, #tpu.memory_space<hbm>>) target(%arg8 : memref<40x128xi32, #tpu.memory_space<vmem>>) target_semaphore(%run_scoped3A : memref<!tpu.dma_semaphore, #tpu.memory_space<semaphore_mem>>)
        %dma_wait3A = arith.constant 0 : i32
        %dma_wait3A_23 = tpu.memref_slice %arg3[%add3A, %dma_wait3A] : memref<2560x128xi32, #tpu.memory_space<hbm>> -> memref<40x128xi32, #tpu.memory_space<hbm>>
        %dma_wait3A_24 = arith.constant 0 : i32
        %dma_wait3A_25 = tpu.memref_slice %arg3[%add3A, %dma_wait3A_24] : memref<2560x128xi32, #tpu.memory_space<hbm>> -> memref<40x128xi32, #tpu.memory_space<hbm>>
        tpu.wait_dma2 semaphore(%run_scoped3A : memref<!tpu.dma_semaphore, #tpu.memory_space<semaphore_mem>>) src(%dma_wait3A_25 : memref<40x128xi32, #tpu.memory_space<hbm>>) dst(%arg8 : memref<40x128xi32, #tpu.memory_space<vmem>>)
        tpu.yield
      }) : () -> ()
      "tpu.region"() ({
        %run_scoped3A = tpu.sem_alloc : memref<!tpu.dma_semaphore, #tpu.memory_space<semaphore_mem>>
        %dma_start3A = arith.constant 0 : i32
        %dma_start3A_20 = tpu.memref_slice %arg4[%add3A, %dma_start3A] : memref<2560x128xi32, #tpu.memory_space<hbm>> -> memref<40x128xi32, #tpu.memory_space<hbm>>
        %dma_start3A_21 = arith.constant 0 : i32
        %dma_start3A_22 = tpu.memref_slice %arg4[%add3A, %dma_start3A_21] : memref<2560x128xi32, #tpu.memory_space<hbm>> -> memref<40x128xi32, #tpu.memory_space<hbm>>
        tpu.enqueue_dma source(%dma_start3A_22 : memref<40x128xi32, #tpu.memory_space<hbm>>) target(%arg9 : memref<40x128xi32, #tpu.memory_space<vmem>>) target_semaphore(%run_scoped3A : memref<!tpu.dma_semaphore, #tpu.memory_space<semaphore_mem>>)
        %dma_wait3A = arith.constant 0 : i32
        %dma_wait3A_23 = tpu.memref_slice %arg4[%add3A, %dma_wait3A] : memref<2560x128xi32, #tpu.memory_space<hbm>> -> memref<40x128xi32, #tpu.memory_space<hbm>>
        %dma_wait3A_24 = arith.constant 0 : i32
        %dma_wait3A_25 = tpu.memref_slice %arg4[%add3A, %dma_wait3A_24] : memref<2560x128xi32, #tpu.memory_space<hbm>> -> memref<40x128xi32, #tpu.memory_space<hbm>>
        tpu.wait_dma2 semaphore(%run_scoped3A : memref<!tpu.dma_semaphore, #tpu.memory_space<semaphore_mem>>) src(%dma_wait3A_25 : memref<40x128xi32, #tpu.memory_space<hbm>>) dst(%arg9 : memref<40x128xi32, #tpu.memory_space<vmem>>)
        tpu.yield
      }) : () -> ()
      %scan3A_14 = arith.constant 0 : i32
      %scan3A_15 = arith.constant 0 : i32
      %scan3A_16 = arith.constant 10 : i32
      %scan3A_17 = arith.addi %scan3A_15, %scan3A_16 : i32
      %scan3A_18 = arith.constant 1 : i32
      scf.for %scan3A_20 = %scan3A_15 to %scan3A_17 step %scan3A_18  : i32 {
        %mul3A_21 = arith.constant 4 : i32
        %mul3A_22 = arith.muli %mul3A_21, %scan3A_20 : i32
        %add3A_23 = arith.constant 0 : i32
        %add3A_24 = arith.addi %mul3A_22, %add3A_23 : i32
        %dma_start3A = arith.constant 0 : i32
        %dma_start3A_25 = arith.constant 0 : i32
        %dma_start3A_26 = tpu.memref_slice %arg8[%add3A_24, %dma_start3A_25] : memref<40x128xi32, #tpu.memory_space<vmem>> -> memref<1x128xi32, #tpu.memory_space<vmem>>
        %dma_start3A_27 = tpu.memref_squeeze %dma_start3A_26 : memref<1x128xi32, #tpu.memory_space<vmem>> -> memref<128xi32, #tpu.memory_space<vmem>>
        %dma_start3A_28 = arith.constant 0 : i32
        %dma_start3A_29 = arith.constant 0 : i32
        %dma_start3A_30 = tpu.memref_slice %arg6[%dma_start3A_28, %dma_start3A_29] : memref<10000x64xf32, #tpu.memory_space<vmem_shared>> -> memref<10000x64xf32, #tpu.memory_space<vmem_shared>>
        %dma_start3A_31 = tpu.memref_slice %arg14[%dma_start3A] : memref<4x!tpu.dma_semaphore, #tpu.memory_space<semaphore_mem>> -> memref<1x!tpu.dma_semaphore, #tpu.memory_space<semaphore_mem>>
        %dma_start3A_32 = tpu.memref_squeeze %dma_start3A_31 : memref<1x!tpu.dma_semaphore, #tpu.memory_space<semaphore_mem>> -> memref<!tpu.dma_semaphore, #tpu.memory_space<semaphore_mem>>
        tpu.enqueue_indirect_dma source(%dma_start3A_30 : memref<10000x64xf32, #tpu.memory_space<vmem_shared>>) target(%arg10 : memref<128x64xf32, #tpu.memory_space<vmem>>) offsets(%dma_start3A_27 : memref<128xi32, #tpu.memory_space<vmem>>) semaphore(%dma_start3A_32 : memref<!tpu.dma_semaphore, #tpu.memory_space<semaphore_mem>>)
        %add3A_33 = arith.constant 1 : i32
        %add3A_34 = arith.addi %mul3A_22, %add3A_33 : i32
        %dma_start3A_35 = arith.constant 1 : i32
        %dma_start3A_36 = arith.constant 0 : i32
        %dma_start3A_37 = tpu.memref_slice %arg8[%add3A_34, %dma_start3A_36] : memref<40x128xi32, #tpu.memory_space<vmem>> -> memref<1x128xi32, #tpu.memory_space<vmem>>
        %dma_start3A_38 = tpu.memref_squeeze %dma_start3A_37 : memref<1x128xi32, #tpu.memory_space<vmem>> -> memref<128xi32, #tpu.memory_space<vmem>>
        %dma_start3A_39 = arith.constant 0 : i32
        %dma_start3A_40 = arith.constant 0 : i32
        %dma_start3A_41 = tpu.memref_slice %arg6[%dma_start3A_39, %dma_start3A_40] : memref<10000x64xf32, #tpu.memory_space<vmem_shared>> -> memref<10000x64xf32, #tpu.memory_space<vmem_shared>>
        %dma_start3A_42 = tpu.memref_slice %arg14[%dma_start3A_35] : memref<4x!tpu.dma_semaphore, #tpu.memory_space<semaphore_mem>> -> memref<1x!tpu.dma_semaphore, #tpu.memory_space<semaphore_mem>>
        %dma_start3A_43 = tpu.memref_squeeze %dma_start3A_42 : memref<1x!tpu.dma_semaphore, #tpu.memory_space<semaphore_mem>> -> memref<!tpu.dma_semaphore, #tpu.memory_space<semaphore_mem>>
        tpu.enqueue_indirect_dma source(%dma_start3A_41 : memref<10000x64xf32, #tpu.memory_space<vmem_shared>>) target(%arg11 : memref<128x64xf32, #tpu.memory_space<vmem>>) offsets(%dma_start3A_38 : memref<128xi32, #tpu.memory_space<vmem>>) semaphore(%dma_start3A_43 : memref<!tpu.dma_semaphore, #tpu.memory_space<semaphore_mem>>)
        %add3A_44 = arith.constant 2 : i32
        %add3A_45 = arith.addi %mul3A_22, %add3A_44 : i32
        %dma_start3A_46 = arith.constant 2 : i32
        %dma_start3A_47 = arith.constant 0 : i32
        %dma_start3A_48 = tpu.memref_slice %arg8[%add3A_45, %dma_start3A_47] : memref<40x128xi32, #tpu.memory_space<vmem>> -> memref<1x128xi32, #tpu.memory_space<vmem>>
        %dma_start3A_49 = tpu.memref_squeeze %dma_start3A_48 : memref<1x128xi32, #tpu.memory_space<vmem>> -> memref<128xi32, #tpu.memory_space<vmem>>
        %dma_start3A_50 = arith.constant 0 : i32
        %dma_start3A_51 = arith.constant 0 : i32
        %dma_start3A_52 = tpu.memref_slice %arg6[%dma_start3A_50, %dma_start3A_51] : memref<10000x64xf32, #tpu.memory_space<vmem_shared>> -> memref<10000x64xf32, #tpu.memory_space<vmem_shared>>
        %dma_start3A_53 = tpu.memref_slice %arg14[%dma_start3A_46] : memref<4x!tpu.dma_semaphore, #tpu.memory_space<semaphore_mem>> -> memref<1x!tpu.dma_semaphore, #tpu.memory_space<semaphore_mem>>
        %dma_start3A_54 = tpu.memref_squeeze %dma_start3A_53 : memref<1x!tpu.dma_semaphore, #tpu.memory_space<semaphore_mem>> -> memref<!tpu.dma_semaphore, #tpu.memory_space<semaphore_mem>>
        tpu.enqueue_indirect_dma source(%dma_start3A_52 : memref<10000x64xf32, #tpu.memory_space<vmem_shared>>) target(%arg12 : memref<128x64xf32, #tpu.memory_space<vmem>>) offsets(%dma_start3A_49 : memref<128xi32, #tpu.memory_space<vmem>>) semaphore(%dma_start3A_54 : memref<!tpu.dma_semaphore, #tpu.memory_space<semaphore_mem>>)
        %add3A_55 = arith.constant 3 : i32
        %add3A_56 = arith.addi %mul3A_22, %add3A_55 : i32
        %dma_start3A_57 = arith.constant 3 : i32
        %dma_start3A_58 = arith.constant 0 : i32
        %dma_start3A_59 = tpu.memref_slice %arg8[%add3A_56, %dma_start3A_58] : memref<40x128xi32, #tpu.memory_space<vmem>> -> memref<1x128xi32, #tpu.memory_space<vmem>>
        %dma_start3A_60 = tpu.memref_squeeze %dma_start3A_59 : memref<1x128xi32, #tpu.memory_space<vmem>> -> memref<128xi32, #tpu.memory_space<vmem>>
        %dma_start3A_61 = arith.constant 0 : i32
        %dma_start3A_62 = arith.constant 0 : i32
        %dma_start3A_63 = tpu.memref_slice %arg6[%dma_start3A_61, %dma_start3A_62] : memref<10000x64xf32, #tpu.memory_space<vmem_shared>> -> memref<10000x64xf32, #tpu.memory_space<vmem_shared>>
        %dma_start3A_64 = tpu.memref_slice %arg14[%dma_start3A_57] : memref<4x!tpu.dma_semaphore, #tpu.memory_space<semaphore_mem>> -> memref<1x!tpu.dma_semaphore, #tpu.memory_space<semaphore_mem>>
        %dma_start3A_65 = tpu.memref_squeeze %dma_start3A_64 : memref<1x!tpu.dma_semaphore, #tpu.memory_space<semaphore_mem>> -> memref<!tpu.dma_semaphore, #tpu.memory_space<semaphore_mem>>
        tpu.enqueue_indirect_dma source(%dma_start3A_63 : memref<10000x64xf32, #tpu.memory_space<vmem_shared>>) target(%arg13 : memref<128x64xf32, #tpu.memory_space<vmem>>) offsets(%dma_start3A_60 : memref<128xi32, #tpu.memory_space<vmem>>) semaphore(%dma_start3A_65 : memref<!tpu.dma_semaphore, #tpu.memory_space<semaphore_mem>>)
        %add3A_66 = arith.constant 0 : i32
        %add3A_67 = arith.addi %mul3A_22, %add3A_66 : i32
        %dma_wait3A = arith.constant 0 : i32
        %dma_wait3A_68 = arith.constant 0 : i32
        %dma_wait3A_69 = tpu.memref_slice %arg8[%add3A_67, %dma_wait3A_68] : memref<40x128xi32, #tpu.memory_space<vmem>> -> memref<1x128xi32, #tpu.memory_space<vmem>>
        %dma_wait3A_70 = tpu.memref_squeeze %dma_wait3A_69 : memref<1x128xi32, #tpu.memory_space<vmem>> -> memref<128xi32, #tpu.memory_space<vmem>>
        %dma_wait3A_71 = arith.constant 0 : i32
        %dma_wait3A_72 = arith.constant 0 : i32
        %dma_wait3A_73 = tpu.memref_slice %arg6[%dma_wait3A_71, %dma_wait3A_72] : memref<10000x64xf32, #tpu.memory_space<vmem_shared>> -> memref<10000x64xf32, #tpu.memory_space<vmem_shared>>
        %dma_wait3A_74 = tpu.memref_slice %arg14[%dma_wait3A] : memref<4x!tpu.dma_semaphore, #tpu.memory_space<semaphore_mem>> -> memref<1x!tpu.dma_semaphore, #tpu.memory_space<semaphore_mem>>
        %dma_wait3A_75 = tpu.memref_squeeze %dma_wait3A_74 : memref<1x!tpu.dma_semaphore, #tpu.memory_space<semaphore_mem>> -> memref<!tpu.dma_semaphore, #tpu.memory_space<semaphore_mem>>
        tpu.wait_indirect_dma semaphore(%dma_wait3A_75 : memref<!tpu.dma_semaphore, #tpu.memory_space<semaphore_mem>>) src(%dma_wait3A_73 : memref<10000x64xf32, #tpu.memory_space<vmem_shared>>) dst(%arg10 : memref<128x64xf32, #tpu.memory_space<vmem>>)
        %add3A_76 = arith.constant 0 : i32
        %add3A_77 = arith.addi %mul3A_22, %add3A_76 : i32
        %dma_start3A_78 = arith.constant 0 : i32
        %dma_start3A_79 = arith.constant 0 : i32
        %dma_start3A_80 = tpu.memref_slice %arg9[%add3A_77, %dma_start3A_79] : memref<40x128xi32, #tpu.memory_space<vmem>> -> memref<1x128xi32, #tpu.memory_space<vmem>>
        %dma_start3A_81 = tpu.memref_squeeze %dma_start3A_80 : memref<1x128xi32, #tpu.memory_space<vmem>> -> memref<128xi32, #tpu.memory_space<vmem>>
        %dma_start3A_82 = arith.constant 0 : i32
        %dma_start3A_83 = arith.constant 0 : i32
        %dma_start3A_84 = tpu.memref_slice %arg7[%dma_start3A_82, %dma_start3A_83] : memref<10008x64xf32, #tpu.memory_space<vmem_shared>> -> memref<10008x64xf32, #tpu.memory_space<vmem_shared>>
        %dma_start3A_85 = tpu.memref_slice %arg15[%dma_start3A_78] : memref<4x!tpu.dma_semaphore, #tpu.memory_space<semaphore_mem>> -> memref<1x!tpu.dma_semaphore, #tpu.memory_space<semaphore_mem>>
        %dma_start3A_86 = tpu.memref_squeeze %dma_start3A_85 : memref<1x!tpu.dma_semaphore, #tpu.memory_space<semaphore_mem>> -> memref<!tpu.dma_semaphore, #tpu.memory_space<semaphore_mem>>
        tpu.enqueue_indirect_dma source(%arg10 : memref<128x64xf32, #tpu.memory_space<vmem>>) target(%dma_start3A_84 : memref<10008x64xf32, #tpu.memory_space<vmem_shared>>) offsets(%dma_start3A_81 : memref<128xi32, #tpu.memory_space<vmem>>) semaphore(%dma_start3A_86 : memref<!tpu.dma_semaphore, #tpu.memory_space<semaphore_mem>>) {add = true}
        %add3A_87 = arith.constant 1 : i32
        %add3A_88 = arith.addi %mul3A_22, %add3A_87 : i32
        %dma_wait3A_89 = arith.constant 1 : i32
        %dma_wait3A_90 = arith.constant 0 : i32
        %dma_wait3A_91 = tpu.memref_slice %arg8[%add3A_88, %dma_wait3A_90] : memref<40x128xi32, #tpu.memory_space<vmem>> -> memref<1x128xi32, #tpu.memory_space<vmem>>
        %dma_wait3A_92 = tpu.memref_squeeze %dma_wait3A_91 : memref<1x128xi32, #tpu.memory_space<vmem>> -> memref<128xi32, #tpu.memory_space<vmem>>
        %dma_wait3A_93 = arith.constant 0 : i32
        %dma_wait3A_94 = arith.constant 0 : i32
        %dma_wait3A_95 = tpu.memref_slice %arg6[%dma_wait3A_93, %dma_wait3A_94] : memref<10000x64xf32, #tpu.memory_space<vmem_shared>> -> memref<10000x64xf32, #tpu.memory_space<vmem_shared>>
        %dma_wait3A_96 = tpu.memref_slice %arg14[%dma_wait3A_89] : memref<4x!tpu.dma_semaphore, #tpu.memory_space<semaphore_mem>> -> memref<1x!tpu.dma_semaphore, #tpu.memory_space<semaphore_mem>>
        %dma_wait3A_97 = tpu.memref_squeeze %dma_wait3A_96 : memref<1x!tpu.dma_semaphore, #tpu.memory_space<semaphore_mem>> -> memref<!tpu.dma_semaphore, #tpu.memory_space<semaphore_mem>>
        tpu.wait_indirect_dma semaphore(%dma_wait3A_97 : memref<!tpu.dma_semaphore, #tpu.memory_space<semaphore_mem>>) src(%dma_wait3A_95 : memref<10000x64xf32, #tpu.memory_space<vmem_shared>>) dst(%arg11 : memref<128x64xf32, #tpu.memory_space<vmem>>)
        %add3A_98 = arith.constant 1 : i32
        %add3A_99 = arith.addi %mul3A_22, %add3A_98 : i32
        %dma_start3A_100 = arith.constant 1 : i32
        %dma_start3A_101 = arith.constant 0 : i32
        %dma_start3A_102 = tpu.memref_slice %arg9[%add3A_99, %dma_start3A_101] : memref<40x128xi32, #tpu.memory_space<vmem>> -> memref<1x128xi32, #tpu.memory_space<vmem>>
        %dma_start3A_103 = tpu.memref_squeeze %dma_start3A_102 : memref<1x128xi32, #tpu.memory_space<vmem>> -> memref<128xi32, #tpu.memory_space<vmem>>
        %dma_start3A_104 = arith.constant 0 : i32
        %dma_start3A_105 = arith.constant 0 : i32
        %dma_start3A_106 = tpu.memref_slice %arg7[%dma_start3A_104, %dma_start3A_105] : memref<10008x64xf32, #tpu.memory_space<vmem_shared>> -> memref<10008x64xf32, #tpu.memory_space<vmem_shared>>
        %dma_start3A_107 = tpu.memref_slice %arg15[%dma_start3A_100] : memref<4x!tpu.dma_semaphore, #tpu.memory_space<semaphore_mem>> -> memref<1x!tpu.dma_semaphore, #tpu.memory_space<semaphore_mem>>
        %dma_start3A_108 = tpu.memref_squeeze %dma_start3A_107 : memref<1x!tpu.dma_semaphore, #tpu.memory_space<semaphore_mem>> -> memref<!tpu.dma_semaphore, #tpu.memory_space<semaphore_mem>>
        tpu.enqueue_indirect_dma source(%arg11 : memref<128x64xf32, #tpu.memory_space<vmem>>) target(%dma_start3A_106 : memref<10008x64xf32, #tpu.memory_space<vmem_shared>>) offsets(%dma_start3A_103 : memref<128xi32, #tpu.memory_space<vmem>>) semaphore(%dma_start3A_108 : memref<!tpu.dma_semaphore, #tpu.memory_space<semaphore_mem>>) {add = true}
        %add3A_109 = arith.constant 2 : i32
        %add3A_110 = arith.addi %mul3A_22, %add3A_109 : i32
        %dma_wait3A_111 = arith.constant 2 : i32
        %dma_wait3A_112 = arith.constant 0 : i32
        %dma_wait3A_113 = tpu.memref_slice %arg8[%add3A_110, %dma_wait3A_112] : memref<40x128xi32, #tpu.memory_space<vmem>> -> memref<1x128xi32, #tpu.memory_space<vmem>>
        %dma_wait3A_114 = tpu.memref_squeeze %dma_wait3A_113 : memref<1x128xi32, #tpu.memory_space<vmem>> -> memref<128xi32, #tpu.memory_space<vmem>>
        %dma_wait3A_115 = arith.constant 0 : i32
        %dma_wait3A_116 = arith.constant 0 : i32
        %dma_wait3A_117 = tpu.memref_slice %arg6[%dma_wait3A_115, %dma_wait3A_116] : memref<10000x64xf32, #tpu.memory_space<vmem_shared>> -> memref<10000x64xf32, #tpu.memory_space<vmem_shared>>
        %dma_wait3A_118 = tpu.memref_slice %arg14[%dma_wait3A_111] : memref<4x!tpu.dma_semaphore, #tpu.memory_space<semaphore_mem>> -> memref<1x!tpu.dma_semaphore, #tpu.memory_space<semaphore_mem>>
        %dma_wait3A_119 = tpu.memref_squeeze %dma_wait3A_118 : memref<1x!tpu.dma_semaphore, #tpu.memory_space<semaphore_mem>> -> memref<!tpu.dma_semaphore, #tpu.memory_space<semaphore_mem>>
        tpu.wait_indirect_dma semaphore(%dma_wait3A_119 : memref<!tpu.dma_semaphore, #tpu.memory_space<semaphore_mem>>) src(%dma_wait3A_117 : memref<10000x64xf32, #tpu.memory_space<vmem_shared>>) dst(%arg12 : memref<128x64xf32, #tpu.memory_space<vmem>>)
        %add3A_120 = arith.constant 2 : i32
        %add3A_121 = arith.addi %mul3A_22, %add3A_120 : i32
        %dma_start3A_122 = arith.constant 2 : i32
        %dma_start3A_123 = arith.constant 0 : i32
        %dma_start3A_124 = tpu.memref_slice %arg9[%add3A_121, %dma_start3A_123] : memref<40x128xi32, #tpu.memory_space<vmem>> -> memref<1x128xi32, #tpu.memory_space<vmem>>
        %dma_start3A_125 = tpu.memref_squeeze %dma_start3A_124 : memref<1x128xi32, #tpu.memory_space<vmem>> -> memref<128xi32, #tpu.memory_space<vmem>>
        %dma_start3A_126 = arith.constant 0 : i32
        %dma_start3A_127 = arith.constant 0 : i32
        %dma_start3A_128 = tpu.memref_slice %arg7[%dma_start3A_126, %dma_start3A_127] : memref<10008x64xf32, #tpu.memory_space<vmem_shared>> -> memref<10008x64xf32, #tpu.memory_space<vmem_shared>>
        %dma_start3A_129 = tpu.memref_slice %arg15[%dma_start3A_122] : memref<4x!tpu.dma_semaphore, #tpu.memory_space<semaphore_mem>> -> memref<1x!tpu.dma_semaphore, #tpu.memory_space<semaphore_mem>>
        %dma_start3A_130 = tpu.memref_squeeze %dma_start3A_129 : memref<1x!tpu.dma_semaphore, #tpu.memory_space<semaphore_mem>> -> memref<!tpu.dma_semaphore, #tpu.memory_space<semaphore_mem>>
        tpu.enqueue_indirect_dma source(%arg12 : memref<128x64xf32, #tpu.memory_space<vmem>>) target(%dma_start3A_128 : memref<10008x64xf32, #tpu.memory_space<vmem_shared>>) offsets(%dma_start3A_125 : memref<128xi32, #tpu.memory_space<vmem>>) semaphore(%dma_start3A_130 : memref<!tpu.dma_semaphore, #tpu.memory_space<semaphore_mem>>) {add = true}
        %add3A_131 = arith.constant 3 : i32
        %add3A_132 = arith.addi %mul3A_22, %add3A_131 : i32
        %dma_wait3A_133 = arith.constant 3 : i32
        %dma_wait3A_134 = arith.constant 0 : i32
        %dma_wait3A_135 = tpu.memref_slice %arg8[%add3A_132, %dma_wait3A_134] : memref<40x128xi32, #tpu.memory_space<vmem>> -> memref<1x128xi32, #tpu.memory_space<vmem>>
        %dma_wait3A_136 = tpu.memref_squeeze %dma_wait3A_135 : memref<1x128xi32, #tpu.memory_space<vmem>> -> memref<128xi32, #tpu.memory_space<vmem>>
        %dma_wait3A_137 = arith.constant 0 : i32
        %dma_wait3A_138 = arith.constant 0 : i32
        %dma_wait3A_139 = tpu.memref_slice %arg6[%dma_wait3A_137, %dma_wait3A_138] : memref<10000x64xf32, #tpu.memory_space<vmem_shared>> -> memref<10000x64xf32, #tpu.memory_space<vmem_shared>>
        %dma_wait3A_140 = tpu.memref_slice %arg14[%dma_wait3A_133] : memref<4x!tpu.dma_semaphore, #tpu.memory_space<semaphore_mem>> -> memref<1x!tpu.dma_semaphore, #tpu.memory_space<semaphore_mem>>
        %dma_wait3A_141 = tpu.memref_squeeze %dma_wait3A_140 : memref<1x!tpu.dma_semaphore, #tpu.memory_space<semaphore_mem>> -> memref<!tpu.dma_semaphore, #tpu.memory_space<semaphore_mem>>
        tpu.wait_indirect_dma semaphore(%dma_wait3A_141 : memref<!tpu.dma_semaphore, #tpu.memory_space<semaphore_mem>>) src(%dma_wait3A_139 : memref<10000x64xf32, #tpu.memory_space<vmem_shared>>) dst(%arg13 : memref<128x64xf32, #tpu.memory_space<vmem>>)
        %add3A_142 = arith.constant 3 : i32
        %add3A_143 = arith.addi %mul3A_22, %add3A_142 : i32
        %dma_start3A_144 = arith.constant 3 : i32
        %dma_start3A_145 = arith.constant 0 : i32
        %dma_start3A_146 = tpu.memref_slice %arg9[%add3A_143, %dma_start3A_145] : memref<40x128xi32, #tpu.memory_space<vmem>> -> memref<1x128xi32, #tpu.memory_space<vmem>>
        %dma_start3A_147 = tpu.memref_squeeze %dma_start3A_146 : memref<1x128xi32, #tpu.memory_space<vmem>> -> memref<128xi32, #tpu.memory_space<vmem>>
        %dma_start3A_148 = arith.constant 0 : i32
        %dma_start3A_149 = arith.constant 0 : i32
        %dma_start3A_150 = tpu.memref_slice %arg7[%dma_start3A_148, %dma_start3A_149] : memref<10008x64xf32, #tpu.memory_space<vmem_shared>> -> memref<10008x64xf32, #tpu.memory_space<vmem_shared>>
        %dma_start3A_151 = tpu.memref_slice %arg15[%dma_start3A_144] : memref<4x!tpu.dma_semaphore, #tpu.memory_space<semaphore_mem>> -> memref<1x!tpu.dma_semaphore, #tpu.memory_space<semaphore_mem>>
        %dma_start3A_152 = tpu.memref_squeeze %dma_start3A_151 : memref<1x!tpu.dma_semaphore, #tpu.memory_space<semaphore_mem>> -> memref<!tpu.dma_semaphore, #tpu.memory_space<semaphore_mem>>
        tpu.enqueue_indirect_dma source(%arg13 : memref<128x64xf32, #tpu.memory_space<vmem>>) target(%dma_start3A_150 : memref<10008x64xf32, #tpu.memory_space<vmem_shared>>) offsets(%dma_start3A_147 : memref<128xi32, #tpu.memory_space<vmem>>) semaphore(%dma_start3A_152 : memref<!tpu.dma_semaphore, #tpu.memory_space<semaphore_mem>>) {add = true}
        %add3A_153 = arith.constant 0 : i32
        %add3A_154 = arith.addi %mul3A_22, %add3A_153 : i32
        %dma_wait3A_155 = arith.constant 0 : i32
        %dma_wait3A_156 = arith.constant 0 : i32
        %dma_wait3A_157 = tpu.memref_slice %arg9[%add3A_154, %dma_wait3A_156] : memref<40x128xi32, #tpu.memory_space<vmem>> -> memref<1x128xi32, #tpu.memory_space<vmem>>
        %dma_wait3A_158 = tpu.memref_squeeze %dma_wait3A_157 : memref<1x128xi32, #tpu.memory_space<vmem>> -> memref<128xi32, #tpu.memory_space<vmem>>
        %dma_wait3A_159 = arith.constant 0 : i32
        %dma_wait3A_160 = arith.constant 0 : i32
        %dma_wait3A_161 = tpu.memref_slice %arg7[%dma_wait3A_159, %dma_wait3A_160] : memref<10008x64xf32, #tpu.memory_space<vmem_shared>> -> memref<10008x64xf32, #tpu.memory_space<vmem_shared>>
        %dma_wait3A_162 = tpu.memref_slice %arg15[%dma_wait3A_155] : memref<4x!tpu.dma_semaphore, #tpu.memory_space<semaphore_mem>> -> memref<1x!tpu.dma_semaphore, #tpu.memory_space<semaphore_mem>>
        %dma_wait3A_163 = tpu.memref_squeeze %dma_wait3A_162 : memref<1x!tpu.dma_semaphore, #tpu.memory_space<semaphore_mem>> -> memref<!tpu.dma_semaphore, #tpu.memory_space<semaphore_mem>>
        tpu.wait_indirect_dma semaphore(%dma_wait3A_163 : memref<!tpu.dma_semaphore, #tpu.memory_space<semaphore_mem>>) src(%arg10 : memref<128x64xf32, #tpu.memory_space<vmem>>) dst(%dma_wait3A_161 : memref<10008x64xf32, #tpu.memory_space<vmem_shared>>)
        %add3A_164 = arith.constant 1 : i32
        %add3A_165 = arith.addi %mul3A_22, %add3A_164 : i32
        %dma_wait3A_166 = arith.constant 1 : i32
        %dma_wait3A_167 = arith.constant 0 : i32
        %dma_wait3A_168 = tpu.memref_slice %arg9[%add3A_165, %dma_wait3A_167] : memref<40x128xi32, #tpu.memory_space<vmem>> -> memref<1x128xi32, #tpu.memory_space<vmem>>
        %dma_wait3A_169 = tpu.memref_squeeze %dma_wait3A_168 : memref<1x128xi32, #tpu.memory_space<vmem>> -> memref<128xi32, #tpu.memory_space<vmem>>
        %dma_wait3A_170 = arith.constant 0 : i32
        %dma_wait3A_171 = arith.constant 0 : i32
        %dma_wait3A_172 = tpu.memref_slice %arg7[%dma_wait3A_170, %dma_wait3A_171] : memref<10008x64xf32, #tpu.memory_space<vmem_shared>> -> memref<10008x64xf32, #tpu.memory_space<vmem_shared>>
        %dma_wait3A_173 = tpu.memref_slice %arg15[%dma_wait3A_166] : memref<4x!tpu.dma_semaphore, #tpu.memory_space<semaphore_mem>> -> memref<1x!tpu.dma_semaphore, #tpu.memory_space<semaphore_mem>>
        %dma_wait3A_174 = tpu.memref_squeeze %dma_wait3A_173 : memref<1x!tpu.dma_semaphore, #tpu.memory_space<semaphore_mem>> -> memref<!tpu.dma_semaphore, #tpu.memory_space<semaphore_mem>>
        tpu.wait_indirect_dma semaphore(%dma_wait3A_174 : memref<!tpu.dma_semaphore, #tpu.memory_space<semaphore_mem>>) src(%arg11 : memref<128x64xf32, #tpu.memory_space<vmem>>) dst(%dma_wait3A_172 : memref<10008x64xf32, #tpu.memory_space<vmem_shared>>)
        %add3A_175 = arith.constant 2 : i32
        %add3A_176 = arith.addi %mul3A_22, %add3A_175 : i32
        %dma_wait3A_177 = arith.constant 2 : i32
        %dma_wait3A_178 = arith.constant 0 : i32
        %dma_wait3A_179 = tpu.memref_slice %arg9[%add3A_176, %dma_wait3A_178] : memref<40x128xi32, #tpu.memory_space<vmem>> -> memref<1x128xi32, #tpu.memory_space<vmem>>
        %dma_wait3A_180 = tpu.memref_squeeze %dma_wait3A_179 : memref<1x128xi32, #tpu.memory_space<vmem>> -> memref<128xi32, #tpu.memory_space<vmem>>
        %dma_wait3A_181 = arith.constant 0 : i32
        %dma_wait3A_182 = arith.constant 0 : i32
        %dma_wait3A_183 = tpu.memref_slice %arg7[%dma_wait3A_181, %dma_wait3A_182] : memref<10008x64xf32, #tpu.memory_space<vmem_shared>> -> memref<10008x64xf32, #tpu.memory_space<vmem_shared>>
        %dma_wait3A_184 = tpu.memref_slice %arg15[%dma_wait3A_177] : memref<4x!tpu.dma_semaphore, #tpu.memory_space<semaphore_mem>> -> memref<1x!tpu.dma_semaphore, #tpu.memory_space<semaphore_mem>>
        %dma_wait3A_185 = tpu.memref_squeeze %dma_wait3A_184 : memref<1x!tpu.dma_semaphore, #tpu.memory_space<semaphore_mem>> -> memref<!tpu.dma_semaphore, #tpu.memory_space<semaphore_mem>>
        tpu.wait_indirect_dma semaphore(%dma_wait3A_185 : memref<!tpu.dma_semaphore, #tpu.memory_space<semaphore_mem>>) src(%arg12 : memref<128x64xf32, #tpu.memory_space<vmem>>) dst(%dma_wait3A_183 : memref<10008x64xf32, #tpu.memory_space<vmem_shared>>)
        %add3A_186 = arith.constant 3 : i32
        %add3A_187 = arith.addi %mul3A_22, %add3A_186 : i32
        %dma_wait3A_188 = arith.constant 3 : i32
        %dma_wait3A_189 = arith.constant 0 : i32
        %dma_wait3A_190 = tpu.memref_slice %arg9[%add3A_187, %dma_wait3A_189] : memref<40x128xi32, #tpu.memory_space<vmem>> -> memref<1x128xi32, #tpu.memory_space<vmem>>
        %dma_wait3A_191 = tpu.memref_squeeze %dma_wait3A_190 : memref<1x128xi32, #tpu.memory_space<vmem>> -> memref<128xi32, #tpu.memory_space<vmem>>
        %dma_wait3A_192 = arith.constant 0 : i32
        %dma_wait3A_193 = arith.constant 0 : i32
        %dma_wait3A_194 = tpu.memref_slice %arg7[%dma_wait3A_192, %dma_wait3A_193] : memref<10008x64xf32, #tpu.memory_space<vmem_shared>> -> memref<10008x64xf32, #tpu.memory_space<vmem_shared>>
        %dma_wait3A_195 = tpu.memref_slice %arg15[%dma_wait3A_188] : memref<4x!tpu.dma_semaphore, #tpu.memory_space<semaphore_mem>> -> memref<1x!tpu.dma_semaphore, #tpu.memory_space<semaphore_mem>>
        %dma_wait3A_196 = tpu.memref_squeeze %dma_wait3A_195 : memref<1x!tpu.dma_semaphore, #tpu.memory_space<semaphore_mem>> -> memref<!tpu.dma_semaphore, #tpu.memory_space<semaphore_mem>>
        tpu.wait_indirect_dma semaphore(%dma_wait3A_196 : memref<!tpu.dma_semaphore, #tpu.memory_space<semaphore_mem>>) src(%arg13 : memref<128x64xf32, #tpu.memory_space<vmem>>) dst(%dma_wait3A_194 : memref<10008x64xf32, #tpu.memory_space<vmem_shared>>)
      }
      %scan3A_19 = arith.constant 10 : i32
    }
    %scan3A_7 = arith.constant 4 : i32
    %barrier3A_8 = arith.constant 0 : index
    tpu.barrier barrier_id(%barrier3A_8)
    "tpu.region"() ({
      %run_scoped3A = tpu.sem_alloc : memref<!tpu.dma_semaphore, #tpu.memory_space<semaphore_mem>>
      %dma_start3A = tpu.memref_slice %arg5[%mul3A_2, %mul3A_0] : memref<10000x128xf32, #tpu.memory_space<hbm>> -> memref<625x64xf32, #tpu.memory_space<hbm>>
      %dma_start3A_9 = arith.constant 0 : i32
      %dma_start3A_10 = tpu.memref_slice %arg7[%mul3A_2, %dma_start3A_9] : memref<10008x64xf32, #tpu.memory_space<vmem_shared>> -> memref<625x64xf32, #tpu.memory_space<vmem_shared>>
      tpu.enqueue_dma source(%dma_start3A_10 : memref<625x64xf32, #tpu.memory_space<vmem_shared>>) target(%dma_start3A : memref<625x64xf32, #tpu.memory_space<hbm>>) target_semaphore(%run_scoped3A : memref<!tpu.dma_semaphore, #tpu.memory_space<semaphore_mem>>)
      %dma_wait3A = tpu.memref_slice %arg5[%mul3A_2, %mul3A_0] : memref<10000x128xf32, #tpu.memory_space<hbm>> -> memref<625x64xf32, #tpu.memory_space<hbm>>
      %dma_wait3A_11 = arith.constant 0 : i32
      %dma_wait3A_12 = tpu.memref_slice %arg7[%mul3A_2, %dma_wait3A_11] : memref<10008x64xf32, #tpu.memory_space<vmem_shared>> -> memref<625x64xf32, #tpu.memory_space<vmem_shared>>
      tpu.wait_dma2 semaphore(%run_scoped3A : memref<!tpu.dma_semaphore, #tpu.memory_space<semaphore_mem>>) src(%dma_wait3A_12 : memref<625x64xf32, #tpu.memory_space<vmem_shared>>) dst(%dma_wait3A : memref<625x64xf32, #tpu.memory_space<hbm>>)
      tpu.yield
    }) : () -> ()
    return
  }
}

#map = affine_map<(d0, d1) -> (0, 0)>
module attributes {stable_mosaic.version = 14 : i64} {
  func.func @_agg_body(%arg0: i32, %arg1: i32, %arg2: memref<10000x128xf32, #tpu.memory_space<hbm>>, %arg3: memref<2560x128xi32, #tpu.memory_space<hbm>>, %arg4: memref<2560x128xi32, #tpu.memory_space<hbm>>, %arg5: memref<10000x128xf32, #tpu.memory_space<hbm>>, %arg6: memref<10000x64xf32, #tpu.memory_space<vmem_shared>>, %arg7: memref<10008x64xf32, #tpu.memory_space<vmem_shared>>, %arg8: memref<40x128xi32, #tpu.memory_space<vmem>>, %arg9: memref<40x128xi32, #tpu.memory_space<vmem>>, %arg10: memref<128x64xf32, #tpu.memory_space<vmem>>, %arg11: memref<128x64xf32, #tpu.memory_space<vmem>>, %arg12: memref<128x64xf32, #tpu.memory_space<vmem>>, %arg13: memref<128x64xf32, #tpu.memory_space<vmem>>, %arg14: memref<4x!tpu.dma_semaphore, #tpu.memory_space<semaphore_mem>>, %arg15: memref<4x!tpu.dma_semaphore, #tpu.memory_space<semaphore_mem>>) attributes {dimension_semantics = [#tpu.dimension_semantics<core_parallel>, #tpu.dimension_semantics<subcore_parallel>], iteration_bounds = array<i64: 2, 16>, scalar_prefetch = 0 : i64, scratch_operands = 10 : i64, tpu.core_type = #tpu.core_type<sc_vector_subcore>, window_params = [{transform_indices = #map}, {transform_indices = #map}, {transform_indices = #map}, {transform_indices = #map}]} {
    %mul3A = arith.constant 64 : i32
    %mul3A_0 = arith.muli %arg0, %mul3A : i32
    %mul3A_1 = arith.constant 625 : i32
    %mul3A_2 = arith.muli %arg1, %mul3A_1 : i32
    "tpu.region"() ({
      %run_scoped3A = tpu.sem_alloc : memref<!tpu.dma_semaphore, #tpu.memory_space<semaphore_mem>>
      %dma_start3A = arith.constant 0 : i32
      %dma_start3A_9 = tpu.memref_slice %arg6[%mul3A_2, %dma_start3A] : memref<10000x64xf32, #tpu.memory_space<vmem_shared>> -> memref<625x64xf32, #tpu.memory_space<vmem_shared>>
      %dma_start3A_10 = tpu.memref_slice %arg2[%mul3A_2, %mul3A_0] : memref<10000x128xf32, #tpu.memory_space<hbm>> -> memref<625x64xf32, #tpu.memory_space<hbm>>
      tpu.enqueue_dma source(%dma_start3A_10 : memref<625x64xf32, #tpu.memory_space<hbm>>) target(%dma_start3A_9 : memref<625x64xf32, #tpu.memory_space<vmem_shared>>) target_semaphore(%run_scoped3A : memref<!tpu.dma_semaphore, #tpu.memory_space<semaphore_mem>>)
      %dma_wait3A = arith.constant 0 : i32
      %dma_wait3A_11 = tpu.memref_slice %arg6[%mul3A_2, %dma_wait3A] : memref<10000x64xf32, #tpu.memory_space<vmem_shared>> -> memref<625x64xf32, #tpu.memory_space<vmem_shared>>
      %dma_wait3A_12 = tpu.memref_slice %arg2[%mul3A_2, %mul3A_0] : memref<10000x128xf32, #tpu.memory_space<hbm>> -> memref<625x64xf32, #tpu.memory_space<hbm>>
      tpu.wait_dma2 semaphore(%run_scoped3A : memref<!tpu.dma_semaphore, #tpu.memory_space<semaphore_mem>>) src(%dma_wait3A_12 : memref<625x64xf32, #tpu.memory_space<hbm>>) dst(%dma_wait3A_11 : memref<625x64xf32, #tpu.memory_space<vmem_shared>>)
      tpu.yield
    }) : () -> ()
    "tpu.region"() ({
      %run_scoped3A = tpu.sem_alloc : memref<!tpu.dma_semaphore, #tpu.memory_space<semaphore_mem>>
      %dma_start3A = arith.constant 0 : i32
      %dma_start3A_9 = tpu.memref_slice %arg7[%mul3A_2, %dma_start3A] : memref<10008x64xf32, #tpu.memory_space<vmem_shared>> -> memref<625x64xf32, #tpu.memory_space<vmem_shared>>
      %dma_start3A_10 = tpu.memref_slice %arg2[%mul3A_2, %mul3A_0] : memref<10000x128xf32, #tpu.memory_space<hbm>> -> memref<625x64xf32, #tpu.memory_space<hbm>>
      tpu.enqueue_dma source(%dma_start3A_10 : memref<625x64xf32, #tpu.memory_space<hbm>>) target(%dma_start3A_9 : memref<625x64xf32, #tpu.memory_space<vmem_shared>>) target_semaphore(%run_scoped3A : memref<!tpu.dma_semaphore, #tpu.memory_space<semaphore_mem>>)
      %dma_wait3A = arith.constant 0 : i32
      %dma_wait3A_11 = tpu.memref_slice %arg7[%mul3A_2, %dma_wait3A] : memref<10008x64xf32, #tpu.memory_space<vmem_shared>> -> memref<625x64xf32, #tpu.memory_space<vmem_shared>>
      %dma_wait3A_12 = tpu.memref_slice %arg2[%mul3A_2, %mul3A_0] : memref<10000x128xf32, #tpu.memory_space<hbm>> -> memref<625x64xf32, #tpu.memory_space<hbm>>
      tpu.wait_dma2 semaphore(%run_scoped3A : memref<!tpu.dma_semaphore, #tpu.memory_space<semaphore_mem>>) src(%dma_wait3A_12 : memref<625x64xf32, #tpu.memory_space<hbm>>) dst(%dma_wait3A_11 : memref<625x64xf32, #tpu.memory_space<vmem_shared>>)
      tpu.yield
    }) : () -> ()
    %barrier3A = arith.constant 0 : index
    tpu.barrier barrier_id(%barrier3A)
    %scan3A = arith.constant 0 : i32
    %scan3A_3 = arith.constant 0 : i32
    %scan3A_4 = arith.constant 4 : i32
    %scan3A_5 = arith.addi %scan3A_3, %scan3A_4 : i32
    %scan3A_6 = arith.constant 1 : i32
    scf.for %scan3A_9 = %scan3A_3 to %scan3A_5 step %scan3A_6  : i32 {
      %mul3A_10 = arith.constant 160 : i32
      %mul3A_11 = arith.muli %arg1, %mul3A_10 : i32
      %mul3A_12 = arith.constant 40 : i32
      %mul3A_13 = arith.muli %scan3A_9, %mul3A_12 : i32
      %add3A = arith.addi %mul3A_11, %mul3A_13 : i32
      "tpu.region"() ({
        %run_scoped3A = tpu.sem_alloc : memref<!tpu.dma_semaphore, #tpu.memory_space<semaphore_mem>>
        %dma_start3A = arith.constant 0 : i32
        %dma_start3A_20 = tpu.memref_slice %arg3[%add3A, %dma_start3A] : memref<2560x128xi32, #tpu.memory_space<hbm>> -> memref<40x128xi32, #tpu.memory_space<hbm>>
        %dma_start3A_21 = arith.constant 0 : i32
        %dma_start3A_22 = tpu.memref_slice %arg3[%add3A, %dma_start3A_21] : memref<2560x128xi32, #tpu.memory_space<hbm>> -> memref<40x128xi32, #tpu.memory_space<hbm>>
        tpu.enqueue_dma source(%dma_start3A_22 : memref<40x128xi32, #tpu.memory_space<hbm>>) target(%arg8 : memref<40x128xi32, #tpu.memory_space<vmem>>) target_semaphore(%run_scoped3A : memref<!tpu.dma_semaphore, #tpu.memory_space<semaphore_mem>>)
        %dma_wait3A = arith.constant 0 : i32
        %dma_wait3A_23 = tpu.memref_slice %arg3[%add3A, %dma_wait3A] : memref<2560x128xi32, #tpu.memory_space<hbm>> -> memref<40x128xi32, #tpu.memory_space<hbm>>
        %dma_wait3A_24 = arith.constant 0 : i32
        %dma_wait3A_25 = tpu.memref_slice %arg3[%add3A, %dma_wait3A_24] : memref<2560x128xi32, #tpu.memory_space<hbm>> -> memref<40x128xi32, #tpu.memory_space<hbm>>
        tpu.wait_dma2 semaphore(%run_scoped3A : memref<!tpu.dma_semaphore, #tpu.memory_space<semaphore_mem>>) src(%dma_wait3A_25 : memref<40x128xi32, #tpu.memory_space<hbm>>) dst(%arg8 : memref<40x128xi32, #tpu.memory_space<vmem>>)
        tpu.yield
      }) : () -> ()
      "tpu.region"() ({
        %run_scoped3A = tpu.sem_alloc : memref<!tpu.dma_semaphore, #tpu.memory_space<semaphore_mem>>
        %dma_start3A = arith.constant 0 : i32
        %dma_start3A_20 = tpu.memref_slice %arg4[%add3A, %dma_start3A] : memref<2560x128xi32, #tpu.memory_space<hbm>> -> memref<40x128xi32, #tpu.memory_space<hbm>>
        %dma_start3A_21 = arith.constant 0 : i32
        %dma_start3A_22 = tpu.memref_slice %arg4[%add3A, %dma_start3A_21] : memref<2560x128xi32, #tpu.memory_space<hbm>> -> memref<40x128xi32, #tpu.memory_space<hbm>>
        tpu.enqueue_dma source(%dma_start3A_22 : memref<40x128xi32, #tpu.memory_space<hbm>>) target(%arg9 : memref<40x128xi32, #tpu.memory_space<vmem>>) target_semaphore(%run_scoped3A : memref<!tpu.dma_semaphore, #tpu.memory_space<semaphore_mem>>)
        %dma_wait3A = arith.constant 0 : i32
        %dma_wait3A_23 = tpu.memref_slice %arg4[%add3A, %dma_wait3A] : memref<2560x128xi32, #tpu.memory_space<hbm>> -> memref<40x128xi32, #tpu.memory_space<hbm>>
        %dma_wait3A_24 = arith.constant 0 : i32
        %dma_wait3A_25 = tpu.memref_slice %arg4[%add3A, %dma_wait3A_24] : memref<2560x128xi32, #tpu.memory_space<hbm>> -> memref<40x128xi32, #tpu.memory_space<hbm>>
        tpu.wait_dma2 semaphore(%run_scoped3A : memref<!tpu.dma_semaphore, #tpu.memory_space<semaphore_mem>>) src(%dma_wait3A_25 : memref<40x128xi32, #tpu.memory_space<hbm>>) dst(%arg9 : memref<40x128xi32, #tpu.memory_space<vmem>>)
        tpu.yield
      }) : () -> ()
      %scan3A_14 = arith.constant 0 : i32
      %scan3A_15 = arith.constant 0 : i32
      %scan3A_16 = arith.constant 10 : i32
      %scan3A_17 = arith.addi %scan3A_15, %scan3A_16 : i32
      %scan3A_18 = arith.constant 1 : i32
      scf.for %scan3A_20 = %scan3A_15 to %scan3A_17 step %scan3A_18  : i32 {
        %mul3A_21 = arith.constant 4 : i32
        %mul3A_22 = arith.muli %mul3A_21, %scan3A_20 : i32
        %add3A_23 = arith.constant 0 : i32
        %add3A_24 = arith.addi %mul3A_22, %add3A_23 : i32
        %dma_start3A = arith.constant 0 : i32
        %dma_start3A_25 = arith.constant 0 : i32
        %dma_start3A_26 = tpu.memref_slice %arg8[%add3A_24, %dma_start3A_25] : memref<40x128xi32, #tpu.memory_space<vmem>> -> memref<1x128xi32, #tpu.memory_space<vmem>>
        %dma_start3A_27 = tpu.memref_squeeze %dma_start3A_26 : memref<1x128xi32, #tpu.memory_space<vmem>> -> memref<128xi32, #tpu.memory_space<vmem>>
        %dma_start3A_28 = arith.constant 0 : i32
        %dma_start3A_29 = arith.constant 0 : i32
        %dma_start3A_30 = tpu.memref_slice %arg6[%dma_start3A_28, %dma_start3A_29] : memref<10000x64xf32, #tpu.memory_space<vmem_shared>> -> memref<10000x64xf32, #tpu.memory_space<vmem_shared>>
        %dma_start3A_31 = tpu.memref_slice %arg14[%dma_start3A] : memref<4x!tpu.dma_semaphore, #tpu.memory_space<semaphore_mem>> -> memref<1x!tpu.dma_semaphore, #tpu.memory_space<semaphore_mem>>
        %dma_start3A_32 = tpu.memref_squeeze %dma_start3A_31 : memref<1x!tpu.dma_semaphore, #tpu.memory_space<semaphore_mem>> -> memref<!tpu.dma_semaphore, #tpu.memory_space<semaphore_mem>>
        tpu.enqueue_indirect_dma source(%dma_start3A_30 : memref<10000x64xf32, #tpu.memory_space<vmem_shared>>) target(%arg10 : memref<128x64xf32, #tpu.memory_space<vmem>>) offsets(%dma_start3A_27 : memref<128xi32, #tpu.memory_space<vmem>>) semaphore(%dma_start3A_32 : memref<!tpu.dma_semaphore, #tpu.memory_space<semaphore_mem>>)
        %add3A_33 = arith.constant 1 : i32
        %add3A_34 = arith.addi %mul3A_22, %add3A_33 : i32
        %dma_start3A_35 = arith.constant 1 : i32
        %dma_start3A_36 = arith.constant 0 : i32
        %dma_start3A_37 = tpu.memref_slice %arg8[%add3A_34, %dma_start3A_36] : memref<40x128xi32, #tpu.memory_space<vmem>> -> memref<1x128xi32, #tpu.memory_space<vmem>>
        %dma_start3A_38 = tpu.memref_squeeze %dma_start3A_37 : memref<1x128xi32, #tpu.memory_space<vmem>> -> memref<128xi32, #tpu.memory_space<vmem>>
        %dma_start3A_39 = arith.constant 0 : i32
        %dma_start3A_40 = arith.constant 0 : i32
        %dma_start3A_41 = tpu.memref_slice %arg6[%dma_start3A_39, %dma_start3A_40] : memref<10000x64xf32, #tpu.memory_space<vmem_shared>> -> memref<10000x64xf32, #tpu.memory_space<vmem_shared>>
        %dma_start3A_42 = tpu.memref_slice %arg14[%dma_start3A_35] : memref<4x!tpu.dma_semaphore, #tpu.memory_space<semaphore_mem>> -> memref<1x!tpu.dma_semaphore, #tpu.memory_space<semaphore_mem>>
        %dma_start3A_43 = tpu.memref_squeeze %dma_start3A_42 : memref<1x!tpu.dma_semaphore, #tpu.memory_space<semaphore_mem>> -> memref<!tpu.dma_semaphore, #tpu.memory_space<semaphore_mem>>
        tpu.enqueue_indirect_dma source(%dma_start3A_41 : memref<10000x64xf32, #tpu.memory_space<vmem_shared>>) target(%arg11 : memref<128x64xf32, #tpu.memory_space<vmem>>) offsets(%dma_start3A_38 : memref<128xi32, #tpu.memory_space<vmem>>) semaphore(%dma_start3A_43 : memref<!tpu.dma_semaphore, #tpu.memory_space<semaphore_mem>>)
        %add3A_44 = arith.constant 2 : i32
        %add3A_45 = arith.addi %mul3A_22, %add3A_44 : i32
        %dma_start3A_46 = arith.constant 2 : i32
        %dma_start3A_47 = arith.constant 0 : i32
        %dma_start3A_48 = tpu.memref_slice %arg8[%add3A_45, %dma_start3A_47] : memref<40x128xi32, #tpu.memory_space<vmem>> -> memref<1x128xi32, #tpu.memory_space<vmem>>
        %dma_start3A_49 = tpu.memref_squeeze %dma_start3A_48 : memref<1x128xi32, #tpu.memory_space<vmem>> -> memref<128xi32, #tpu.memory_space<vmem>>
        %dma_start3A_50 = arith.constant 0 : i32
        %dma_start3A_51 = arith.constant 0 : i32
        %dma_start3A_52 = tpu.memref_slice %arg6[%dma_start3A_50, %dma_start3A_51] : memref<10000x64xf32, #tpu.memory_space<vmem_shared>> -> memref<10000x64xf32, #tpu.memory_space<vmem_shared>>
        %dma_start3A_53 = tpu.memref_slice %arg14[%dma_start3A_46] : memref<4x!tpu.dma_semaphore, #tpu.memory_space<semaphore_mem>> -> memref<1x!tpu.dma_semaphore, #tpu.memory_space<semaphore_mem>>
        %dma_start3A_54 = tpu.memref_squeeze %dma_start3A_53 : memref<1x!tpu.dma_semaphore, #tpu.memory_space<semaphore_mem>> -> memref<!tpu.dma_semaphore, #tpu.memory_space<semaphore_mem>>
        tpu.enqueue_indirect_dma source(%dma_start3A_52 : memref<10000x64xf32, #tpu.memory_space<vmem_shared>>) target(%arg12 : memref<128x64xf32, #tpu.memory_space<vmem>>) offsets(%dma_start3A_49 : memref<128xi32, #tpu.memory_space<vmem>>) semaphore(%dma_start3A_54 : memref<!tpu.dma_semaphore, #tpu.memory_space<semaphore_mem>>)
        %add3A_55 = arith.constant 3 : i32
        %add3A_56 = arith.addi %mul3A_22, %add3A_55 : i32
        %dma_start3A_57 = arith.constant 3 : i32
        %dma_start3A_58 = arith.constant 0 : i32
        %dma_start3A_59 = tpu.memref_slice %arg8[%add3A_56, %dma_start3A_58] : memref<40x128xi32, #tpu.memory_space<vmem>> -> memref<1x128xi32, #tpu.memory_space<vmem>>
        %dma_start3A_60 = tpu.memref_squeeze %dma_start3A_59 : memref<1x128xi32, #tpu.memory_space<vmem>> -> memref<128xi32, #tpu.memory_space<vmem>>
        %dma_start3A_61 = arith.constant 0 : i32
        %dma_start3A_62 = arith.constant 0 : i32
        %dma_start3A_63 = tpu.memref_slice %arg6[%dma_start3A_61, %dma_start3A_62] : memref<10000x64xf32, #tpu.memory_space<vmem_shared>> -> memref<10000x64xf32, #tpu.memory_space<vmem_shared>>
        %dma_start3A_64 = tpu.memref_slice %arg14[%dma_start3A_57] : memref<4x!tpu.dma_semaphore, #tpu.memory_space<semaphore_mem>> -> memref<1x!tpu.dma_semaphore, #tpu.memory_space<semaphore_mem>>
        %dma_start3A_65 = tpu.memref_squeeze %dma_start3A_64 : memref<1x!tpu.dma_semaphore, #tpu.memory_space<semaphore_mem>> -> memref<!tpu.dma_semaphore, #tpu.memory_space<semaphore_mem>>
        tpu.enqueue_indirect_dma source(%dma_start3A_63 : memref<10000x64xf32, #tpu.memory_space<vmem_shared>>) target(%arg13 : memref<128x64xf32, #tpu.memory_space<vmem>>) offsets(%dma_start3A_60 : memref<128xi32, #tpu.memory_space<vmem>>) semaphore(%dma_start3A_65 : memref<!tpu.dma_semaphore, #tpu.memory_space<semaphore_mem>>)
        %add3A_66 = arith.constant 0 : i32
        %add3A_67 = arith.addi %mul3A_22, %add3A_66 : i32
        %dma_wait3A = arith.constant 0 : i32
        %dma_wait3A_68 = arith.constant 0 : i32
        %dma_wait3A_69 = tpu.memref_slice %arg8[%add3A_67, %dma_wait3A_68] : memref<40x128xi32, #tpu.memory_space<vmem>> -> memref<1x128xi32, #tpu.memory_space<vmem>>
        %dma_wait3A_70 = tpu.memref_squeeze %dma_wait3A_69 : memref<1x128xi32, #tpu.memory_space<vmem>> -> memref<128xi32, #tpu.memory_space<vmem>>
        %dma_wait3A_71 = arith.constant 0 : i32
        %dma_wait3A_72 = arith.constant 0 : i32
        %dma_wait3A_73 = tpu.memref_slice %arg6[%dma_wait3A_71, %dma_wait3A_72] : memref<10000x64xf32, #tpu.memory_space<vmem_shared>> -> memref<10000x64xf32, #tpu.memory_space<vmem_shared>>
        %dma_wait3A_74 = tpu.memref_slice %arg14[%dma_wait3A] : memref<4x!tpu.dma_semaphore, #tpu.memory_space<semaphore_mem>> -> memref<1x!tpu.dma_semaphore, #tpu.memory_space<semaphore_mem>>
        %dma_wait3A_75 = tpu.memref_squeeze %dma_wait3A_74 : memref<1x!tpu.dma_semaphore, #tpu.memory_space<semaphore_mem>> -> memref<!tpu.dma_semaphore, #tpu.memory_space<semaphore_mem>>
        tpu.wait_indirect_dma semaphore(%dma_wait3A_75 : memref<!tpu.dma_semaphore, #tpu.memory_space<semaphore_mem>>) src(%dma_wait3A_73 : memref<10000x64xf32, #tpu.memory_space<vmem_shared>>) dst(%arg10 : memref<128x64xf32, #tpu.memory_space<vmem>>)
        %add3A_76 = arith.constant 0 : i32
        %add3A_77 = arith.addi %mul3A_22, %add3A_76 : i32
        %dma_start3A_78 = arith.constant 0 : i32
        %dma_start3A_79 = arith.constant 0 : i32
        %dma_start3A_80 = tpu.memref_slice %arg9[%add3A_77, %dma_start3A_79] : memref<40x128xi32, #tpu.memory_space<vmem>> -> memref<1x128xi32, #tpu.memory_space<vmem>>
        %dma_start3A_81 = tpu.memref_squeeze %dma_start3A_80 : memref<1x128xi32, #tpu.memory_space<vmem>> -> memref<128xi32, #tpu.memory_space<vmem>>
        %dma_start3A_82 = arith.constant 0 : i32
        %dma_start3A_83 = arith.constant 0 : i32
        %dma_start3A_84 = tpu.memref_slice %arg7[%dma_start3A_82, %dma_start3A_83] : memref<10008x64xf32, #tpu.memory_space<vmem_shared>> -> memref<10008x64xf32, #tpu.memory_space<vmem_shared>>
        %dma_start3A_85 = tpu.memref_slice %arg15[%dma_start3A_78] : memref<4x!tpu.dma_semaphore, #tpu.memory_space<semaphore_mem>> -> memref<1x!tpu.dma_semaphore, #tpu.memory_space<semaphore_mem>>
        %dma_start3A_86 = tpu.memref_squeeze %dma_start3A_85 : memref<1x!tpu.dma_semaphore, #tpu.memory_space<semaphore_mem>> -> memref<!tpu.dma_semaphore, #tpu.memory_space<semaphore_mem>>
        tpu.enqueue_indirect_dma source(%arg10 : memref<128x64xf32, #tpu.memory_space<vmem>>) target(%dma_start3A_84 : memref<10008x64xf32, #tpu.memory_space<vmem_shared>>) offsets(%dma_start3A_81 : memref<128xi32, #tpu.memory_space<vmem>>) semaphore(%dma_start3A_86 : memref<!tpu.dma_semaphore, #tpu.memory_space<semaphore_mem>>) {add = true}
        %add3A_87 = arith.constant 1 : i32
        %add3A_88 = arith.addi %mul3A_22, %add3A_87 : i32
        %dma_wait3A_89 = arith.constant 1 : i32
        %dma_wait3A_90 = arith.constant 0 : i32
        %dma_wait3A_91 = tpu.memref_slice %arg8[%add3A_88, %dma_wait3A_90] : memref<40x128xi32, #tpu.memory_space<vmem>> -> memref<1x128xi32, #tpu.memory_space<vmem>>
        %dma_wait3A_92 = tpu.memref_squeeze %dma_wait3A_91 : memref<1x128xi32, #tpu.memory_space<vmem>> -> memref<128xi32, #tpu.memory_space<vmem>>
        %dma_wait3A_93 = arith.constant 0 : i32
        %dma_wait3A_94 = arith.constant 0 : i32
        %dma_wait3A_95 = tpu.memref_slice %arg6[%dma_wait3A_93, %dma_wait3A_94] : memref<10000x64xf32, #tpu.memory_space<vmem_shared>> -> memref<10000x64xf32, #tpu.memory_space<vmem_shared>>
        %dma_wait3A_96 = tpu.memref_slice %arg14[%dma_wait3A_89] : memref<4x!tpu.dma_semaphore, #tpu.memory_space<semaphore_mem>> -> memref<1x!tpu.dma_semaphore, #tpu.memory_space<semaphore_mem>>
        %dma_wait3A_97 = tpu.memref_squeeze %dma_wait3A_96 : memref<1x!tpu.dma_semaphore, #tpu.memory_space<semaphore_mem>> -> memref<!tpu.dma_semaphore, #tpu.memory_space<semaphore_mem>>
        tpu.wait_indirect_dma semaphore(%dma_wait3A_97 : memref<!tpu.dma_semaphore, #tpu.memory_space<semaphore_mem>>) src(%dma_wait3A_95 : memref<10000x64xf32, #tpu.memory_space<vmem_shared>>) dst(%arg11 : memref<128x64xf32, #tpu.memory_space<vmem>>)
        %add3A_98 = arith.constant 1 : i32
        %add3A_99 = arith.addi %mul3A_22, %add3A_98 : i32
        %dma_start3A_100 = arith.constant 1 : i32
        %dma_start3A_101 = arith.constant 0 : i32
        %dma_start3A_102 = tpu.memref_slice %arg9[%add3A_99, %dma_start3A_101] : memref<40x128xi32, #tpu.memory_space<vmem>> -> memref<1x128xi32, #tpu.memory_space<vmem>>
        %dma_start3A_103 = tpu.memref_squeeze %dma_start3A_102 : memref<1x128xi32, #tpu.memory_space<vmem>> -> memref<128xi32, #tpu.memory_space<vmem>>
        %dma_start3A_104 = arith.constant 0 : i32
        %dma_start3A_105 = arith.constant 0 : i32
        %dma_start3A_106 = tpu.memref_slice %arg7[%dma_start3A_104, %dma_start3A_105] : memref<10008x64xf32, #tpu.memory_space<vmem_shared>> -> memref<10008x64xf32, #tpu.memory_space<vmem_shared>>
        %dma_start3A_107 = tpu.memref_slice %arg15[%dma_start3A_100] : memref<4x!tpu.dma_semaphore, #tpu.memory_space<semaphore_mem>> -> memref<1x!tpu.dma_semaphore, #tpu.memory_space<semaphore_mem>>
        %dma_start3A_108 = tpu.memref_squeeze %dma_start3A_107 : memref<1x!tpu.dma_semaphore, #tpu.memory_space<semaphore_mem>> -> memref<!tpu.dma_semaphore, #tpu.memory_space<semaphore_mem>>
        tpu.enqueue_indirect_dma source(%arg11 : memref<128x64xf32, #tpu.memory_space<vmem>>) target(%dma_start3A_106 : memref<10008x64xf32, #tpu.memory_space<vmem_shared>>) offsets(%dma_start3A_103 : memref<128xi32, #tpu.memory_space<vmem>>) semaphore(%dma_start3A_108 : memref<!tpu.dma_semaphore, #tpu.memory_space<semaphore_mem>>) {add = true}
        %add3A_109 = arith.constant 2 : i32
        %add3A_110 = arith.addi %mul3A_22, %add3A_109 : i32
        %dma_wait3A_111 = arith.constant 2 : i32
        %dma_wait3A_112 = arith.constant 0 : i32
        %dma_wait3A_113 = tpu.memref_slice %arg8[%add3A_110, %dma_wait3A_112] : memref<40x128xi32, #tpu.memory_space<vmem>> -> memref<1x128xi32, #tpu.memory_space<vmem>>
        %dma_wait3A_114 = tpu.memref_squeeze %dma_wait3A_113 : memref<1x128xi32, #tpu.memory_space<vmem>> -> memref<128xi32, #tpu.memory_space<vmem>>
        %dma_wait3A_115 = arith.constant 0 : i32
        %dma_wait3A_116 = arith.constant 0 : i32
        %dma_wait3A_117 = tpu.memref_slice %arg6[%dma_wait3A_115, %dma_wait3A_116] : memref<10000x64xf32, #tpu.memory_space<vmem_shared>> -> memref<10000x64xf32, #tpu.memory_space<vmem_shared>>
        %dma_wait3A_118 = tpu.memref_slice %arg14[%dma_wait3A_111] : memref<4x!tpu.dma_semaphore, #tpu.memory_space<semaphore_mem>> -> memref<1x!tpu.dma_semaphore, #tpu.memory_space<semaphore_mem>>
        %dma_wait3A_119 = tpu.memref_squeeze %dma_wait3A_118 : memref<1x!tpu.dma_semaphore, #tpu.memory_space<semaphore_mem>> -> memref<!tpu.dma_semaphore, #tpu.memory_space<semaphore_mem>>
        tpu.wait_indirect_dma semaphore(%dma_wait3A_119 : memref<!tpu.dma_semaphore, #tpu.memory_space<semaphore_mem>>) src(%dma_wait3A_117 : memref<10000x64xf32, #tpu.memory_space<vmem_shared>>) dst(%arg12 : memref<128x64xf32, #tpu.memory_space<vmem>>)
        %add3A_120 = arith.constant 2 : i32
        %add3A_121 = arith.addi %mul3A_22, %add3A_120 : i32
        %dma_start3A_122 = arith.constant 2 : i32
        %dma_start3A_123 = arith.constant 0 : i32
        %dma_start3A_124 = tpu.memref_slice %arg9[%add3A_121, %dma_start3A_123] : memref<40x128xi32, #tpu.memory_space<vmem>> -> memref<1x128xi32, #tpu.memory_space<vmem>>
        %dma_start3A_125 = tpu.memref_squeeze %dma_start3A_124 : memref<1x128xi32, #tpu.memory_space<vmem>> -> memref<128xi32, #tpu.memory_space<vmem>>
        %dma_start3A_126 = arith.constant 0 : i32
        %dma_start3A_127 = arith.constant 0 : i32
        %dma_start3A_128 = tpu.memref_slice %arg7[%dma_start3A_126, %dma_start3A_127] : memref<10008x64xf32, #tpu.memory_space<vmem_shared>> -> memref<10008x64xf32, #tpu.memory_space<vmem_shared>>
        %dma_start3A_129 = tpu.memref_slice %arg15[%dma_start3A_122] : memref<4x!tpu.dma_semaphore, #tpu.memory_space<semaphore_mem>> -> memref<1x!tpu.dma_semaphore, #tpu.memory_space<semaphore_mem>>
        %dma_start3A_130 = tpu.memref_squeeze %dma_start3A_129 : memref<1x!tpu.dma_semaphore, #tpu.memory_space<semaphore_mem>> -> memref<!tpu.dma_semaphore, #tpu.memory_space<semaphore_mem>>
        tpu.enqueue_indirect_dma source(%arg12 : memref<128x64xf32, #tpu.memory_space<vmem>>) target(%dma_start3A_128 : memref<10008x64xf32, #tpu.memory_space<vmem_shared>>) offsets(%dma_start3A_125 : memref<128xi32, #tpu.memory_space<vmem>>) semaphore(%dma_start3A_130 : memref<!tpu.dma_semaphore, #tpu.memory_space<semaphore_mem>>) {add = true}
        %add3A_131 = arith.constant 3 : i32
        %add3A_132 = arith.addi %mul3A_22, %add3A_131 : i32
        %dma_wait3A_133 = arith.constant 3 : i32
        %dma_wait3A_134 = arith.constant 0 : i32
        %dma_wait3A_135 = tpu.memref_slice %arg8[%add3A_132, %dma_wait3A_134] : memref<40x128xi32, #tpu.memory_space<vmem>> -> memref<1x128xi32, #tpu.memory_space<vmem>>
        %dma_wait3A_136 = tpu.memref_squeeze %dma_wait3A_135 : memref<1x128xi32, #tpu.memory_space<vmem>> -> memref<128xi32, #tpu.memory_space<vmem>>
        %dma_wait3A_137 = arith.constant 0 : i32
        %dma_wait3A_138 = arith.constant 0 : i32
        %dma_wait3A_139 = tpu.memref_slice %arg6[%dma_wait3A_137, %dma_wait3A_138] : memref<10000x64xf32, #tpu.memory_space<vmem_shared>> -> memref<10000x64xf32, #tpu.memory_space<vmem_shared>>
        %dma_wait3A_140 = tpu.memref_slice %arg14[%dma_wait3A_133] : memref<4x!tpu.dma_semaphore, #tpu.memory_space<semaphore_mem>> -> memref<1x!tpu.dma_semaphore, #tpu.memory_space<semaphore_mem>>
        %dma_wait3A_141 = tpu.memref_squeeze %dma_wait3A_140 : memref<1x!tpu.dma_semaphore, #tpu.memory_space<semaphore_mem>> -> memref<!tpu.dma_semaphore, #tpu.memory_space<semaphore_mem>>
        tpu.wait_indirect_dma semaphore(%dma_wait3A_141 : memref<!tpu.dma_semaphore, #tpu.memory_space<semaphore_mem>>) src(%dma_wait3A_139 : memref<10000x64xf32, #tpu.memory_space<vmem_shared>>) dst(%arg13 : memref<128x64xf32, #tpu.memory_space<vmem>>)
        %add3A_142 = arith.constant 3 : i32
        %add3A_143 = arith.addi %mul3A_22, %add3A_142 : i32
        %dma_start3A_144 = arith.constant 3 : i32
        %dma_start3A_145 = arith.constant 0 : i32
        %dma_start3A_146 = tpu.memref_slice %arg9[%add3A_143, %dma_start3A_145] : memref<40x128xi32, #tpu.memory_space<vmem>> -> memref<1x128xi32, #tpu.memory_space<vmem>>
        %dma_start3A_147 = tpu.memref_squeeze %dma_start3A_146 : memref<1x128xi32, #tpu.memory_space<vmem>> -> memref<128xi32, #tpu.memory_space<vmem>>
        %dma_start3A_148 = arith.constant 0 : i32
        %dma_start3A_149 = arith.constant 0 : i32
        %dma_start3A_150 = tpu.memref_slice %arg7[%dma_start3A_148, %dma_start3A_149] : memref<10008x64xf32, #tpu.memory_space<vmem_shared>> -> memref<10008x64xf32, #tpu.memory_space<vmem_shared>>
        %dma_start3A_151 = tpu.memref_slice %arg15[%dma_start3A_144] : memref<4x!tpu.dma_semaphore, #tpu.memory_space<semaphore_mem>> -> memref<1x!tpu.dma_semaphore, #tpu.memory_space<semaphore_mem>>
        %dma_start3A_152 = tpu.memref_squeeze %dma_start3A_151 : memref<1x!tpu.dma_semaphore, #tpu.memory_space<semaphore_mem>> -> memref<!tpu.dma_semaphore, #tpu.memory_space<semaphore_mem>>
        tpu.enqueue_indirect_dma source(%arg13 : memref<128x64xf32, #tpu.memory_space<vmem>>) target(%dma_start3A_150 : memref<10008x64xf32, #tpu.memory_space<vmem_shared>>) offsets(%dma_start3A_147 : memref<128xi32, #tpu.memory_space<vmem>>) semaphore(%dma_start3A_152 : memref<!tpu.dma_semaphore, #tpu.memory_space<semaphore_mem>>) {add = true}
        %add3A_153 = arith.constant 0 : i32
        %add3A_154 = arith.addi %mul3A_22, %add3A_153 : i32
        %dma_wait3A_155 = arith.constant 0 : i32
        %dma_wait3A_156 = arith.constant 0 : i32
        %dma_wait3A_157 = tpu.memref_slice %arg9[%add3A_154, %dma_wait3A_156] : memref<40x128xi32, #tpu.memory_space<vmem>> -> memref<1x128xi32, #tpu.memory_space<vmem>>
        %dma_wait3A_158 = tpu.memref_squeeze %dma_wait3A_157 : memref<1x128xi32, #tpu.memory_space<vmem>> -> memref<128xi32, #tpu.memory_space<vmem>>
        %dma_wait3A_159 = arith.constant 0 : i32
        %dma_wait3A_160 = arith.constant 0 : i32
        %dma_wait3A_161 = tpu.memref_slice %arg7[%dma_wait3A_159, %dma_wait3A_160] : memref<10008x64xf32, #tpu.memory_space<vmem_shared>> -> memref<10008x64xf32, #tpu.memory_space<vmem_shared>>
        %dma_wait3A_162 = tpu.memref_slice %arg15[%dma_wait3A_155] : memref<4x!tpu.dma_semaphore, #tpu.memory_space<semaphore_mem>> -> memref<1x!tpu.dma_semaphore, #tpu.memory_space<semaphore_mem>>
        %dma_wait3A_163 = tpu.memref_squeeze %dma_wait3A_162 : memref<1x!tpu.dma_semaphore, #tpu.memory_space<semaphore_mem>> -> memref<!tpu.dma_semaphore, #tpu.memory_space<semaphore_mem>>
        tpu.wait_indirect_dma semaphore(%dma_wait3A_163 : memref<!tpu.dma_semaphore, #tpu.memory_space<semaphore_mem>>) src(%arg10 : memref<128x64xf32, #tpu.memory_space<vmem>>) dst(%dma_wait3A_161 : memref<10008x64xf32, #tpu.memory_space<vmem_shared>>)
        %add3A_164 = arith.constant 1 : i32
        %add3A_165 = arith.addi %mul3A_22, %add3A_164 : i32
        %dma_wait3A_166 = arith.constant 1 : i32
        %dma_wait3A_167 = arith.constant 0 : i32
        %dma_wait3A_168 = tpu.memref_slice %arg9[%add3A_165, %dma_wait3A_167] : memref<40x128xi32, #tpu.memory_space<vmem>> -> memref<1x128xi32, #tpu.memory_space<vmem>>
        %dma_wait3A_169 = tpu.memref_squeeze %dma_wait3A_168 : memref<1x128xi32, #tpu.memory_space<vmem>> -> memref<128xi32, #tpu.memory_space<vmem>>
        %dma_wait3A_170 = arith.constant 0 : i32
        %dma_wait3A_171 = arith.constant 0 : i32
        %dma_wait3A_172 = tpu.memref_slice %arg7[%dma_wait3A_170, %dma_wait3A_171] : memref<10008x64xf32, #tpu.memory_space<vmem_shared>> -> memref<10008x64xf32, #tpu.memory_space<vmem_shared>>
        %dma_wait3A_173 = tpu.memref_slice %arg15[%dma_wait3A_166] : memref<4x!tpu.dma_semaphore, #tpu.memory_space<semaphore_mem>> -> memref<1x!tpu.dma_semaphore, #tpu.memory_space<semaphore_mem>>
        %dma_wait3A_174 = tpu.memref_squeeze %dma_wait3A_173 : memref<1x!tpu.dma_semaphore, #tpu.memory_space<semaphore_mem>> -> memref<!tpu.dma_semaphore, #tpu.memory_space<semaphore_mem>>
        tpu.wait_indirect_dma semaphore(%dma_wait3A_174 : memref<!tpu.dma_semaphore, #tpu.memory_space<semaphore_mem>>) src(%arg11 : memref<128x64xf32, #tpu.memory_space<vmem>>) dst(%dma_wait3A_172 : memref<10008x64xf32, #tpu.memory_space<vmem_shared>>)
        %add3A_175 = arith.constant 2 : i32
        %add3A_176 = arith.addi %mul3A_22, %add3A_175 : i32
        %dma_wait3A_177 = arith.constant 2 : i32
        %dma_wait3A_178 = arith.constant 0 : i32
        %dma_wait3A_179 = tpu.memref_slice %arg9[%add3A_176, %dma_wait3A_178] : memref<40x128xi32, #tpu.memory_space<vmem>> -> memref<1x128xi32, #tpu.memory_space<vmem>>
        %dma_wait3A_180 = tpu.memref_squeeze %dma_wait3A_179 : memref<1x128xi32, #tpu.memory_space<vmem>> -> memref<128xi32, #tpu.memory_space<vmem>>
        %dma_wait3A_181 = arith.constant 0 : i32
        %dma_wait3A_182 = arith.constant 0 : i32
        %dma_wait3A_183 = tpu.memref_slice %arg7[%dma_wait3A_181, %dma_wait3A_182] : memref<10008x64xf32, #tpu.memory_space<vmem_shared>> -> memref<10008x64xf32, #tpu.memory_space<vmem_shared>>
        %dma_wait3A_184 = tpu.memref_slice %arg15[%dma_wait3A_177] : memref<4x!tpu.dma_semaphore, #tpu.memory_space<semaphore_mem>> -> memref<1x!tpu.dma_semaphore, #tpu.memory_space<semaphore_mem>>
        %dma_wait3A_185 = tpu.memref_squeeze %dma_wait3A_184 : memref<1x!tpu.dma_semaphore, #tpu.memory_space<semaphore_mem>> -> memref<!tpu.dma_semaphore, #tpu.memory_space<semaphore_mem>>
        tpu.wait_indirect_dma semaphore(%dma_wait3A_185 : memref<!tpu.dma_semaphore, #tpu.memory_space<semaphore_mem>>) src(%arg12 : memref<128x64xf32, #tpu.memory_space<vmem>>) dst(%dma_wait3A_183 : memref<10008x64xf32, #tpu.memory_space<vmem_shared>>)
        %add3A_186 = arith.constant 3 : i32
        %add3A_187 = arith.addi %mul3A_22, %add3A_186 : i32
        %dma_wait3A_188 = arith.constant 3 : i32
        %dma_wait3A_189 = arith.constant 0 : i32
        %dma_wait3A_190 = tpu.memref_slice %arg9[%add3A_187, %dma_wait3A_189] : memref<40x128xi32, #tpu.memory_space<vmem>> -> memref<1x128xi32, #tpu.memory_space<vmem>>
        %dma_wait3A_191 = tpu.memref_squeeze %dma_wait3A_190 : memref<1x128xi32, #tpu.memory_space<vmem>> -> memref<128xi32, #tpu.memory_space<vmem>>
        %dma_wait3A_192 = arith.constant 0 : i32
        %dma_wait3A_193 = arith.constant 0 : i32
        %dma_wait3A_194 = tpu.memref_slice %arg7[%dma_wait3A_192, %dma_wait3A_193] : memref<10008x64xf32, #tpu.memory_space<vmem_shared>> -> memref<10008x64xf32, #tpu.memory_space<vmem_shared>>
        %dma_wait3A_195 = tpu.memref_slice %arg15[%dma_wait3A_188] : memref<4x!tpu.dma_semaphore, #tpu.memory_space<semaphore_mem>> -> memref<1x!tpu.dma_semaphore, #tpu.memory_space<semaphore_mem>>
        %dma_wait3A_196 = tpu.memref_squeeze %dma_wait3A_195 : memref<1x!tpu.dma_semaphore, #tpu.memory_space<semaphore_mem>> -> memref<!tpu.dma_semaphore, #tpu.memory_space<semaphore_mem>>
        tpu.wait_indirect_dma semaphore(%dma_wait3A_196 : memref<!tpu.dma_semaphore, #tpu.memory_space<semaphore_mem>>) src(%arg13 : memref<128x64xf32, #tpu.memory_space<vmem>>) dst(%dma_wait3A_194 : memref<10008x64xf32, #tpu.memory_space<vmem_shared>>)
      }
      %scan3A_19 = arith.constant 10 : i32
    }
    %scan3A_7 = arith.constant 4 : i32
    %barrier3A_8 = arith.constant 0 : index
    tpu.barrier barrier_id(%barrier3A_8)
    "tpu.region"() ({
      %run_scoped3A = tpu.sem_alloc : memref<!tpu.dma_semaphore, #tpu.memory_space<semaphore_mem>>
      %dma_start3A = tpu.memref_slice %arg5[%mul3A_2, %mul3A_0] : memref<10000x128xf32, #tpu.memory_space<hbm>> -> memref<625x64xf32, #tpu.memory_space<hbm>>
      %dma_start3A_9 = arith.constant 0 : i32
      %dma_start3A_10 = tpu.memref_slice %arg7[%mul3A_2, %dma_start3A_9] : memref<10008x64xf32, #tpu.memory_space<vmem_shared>> -> memref<625x64xf32, #tpu.memory_space<vmem_shared>>
      tpu.enqueue_dma source(%dma_start3A_10 : memref<625x64xf32, #tpu.memory_space<vmem_shared>>) target(%dma_start3A : memref<625x64xf32, #tpu.memory_space<hbm>>) target_semaphore(%run_scoped3A : memref<!tpu.dma_semaphore, #tpu.memory_space<semaphore_mem>>)
      %dma_wait3A = tpu.memref_slice %arg5[%mul3A_2, %mul3A_0] : memref<10000x128xf32, #tpu.memory_space<hbm>> -> memref<625x64xf32, #tpu.memory_space<hbm>>
      %dma_wait3A_11 = arith.constant 0 : i32
      %dma_wait3A_12 = tpu.memref_slice %arg7[%mul3A_2, %dma_wait3A_11] : memref<10008x64xf32, #tpu.memory_space<vmem_shared>> -> memref<625x64xf32, #tpu.memory_space<vmem_shared>>
      tpu.wait_dma2 semaphore(%run_scoped3A : memref<!tpu.dma_semaphore, #tpu.memory_space<semaphore_mem>>) src(%dma_wait3A_12 : memref<625x64xf32, #tpu.memory_space<vmem_shared>>) dst(%dma_wait3A : memref<625x64xf32, #tpu.memory_space<hbm>>)
      tpu.yield
    }) : () -> ()
    return
  }
}

module attributes {stable_mosaic.version = 14 : i64} {
  func.func @_mlp_body(%arg0: i32, %arg1: memref<1000x128xf32, #tpu.memory_space<vmem>>, %arg2: memref<128x128xf32, #tpu.memory_space<vmem>>, %arg3: memref<1x128xf32, #tpu.memory_space<vmem>>, %arg4: memref<1000x128xf32, #tpu.memory_space<vmem>>) attributes {dimension_semantics = [#tpu.dimension_semantics<arbitrary>], iteration_bounds = array<i64: 10>, scalar_prefetch = 0 : i64, scratch_operands = 0 : i64, tpu.core_type = #tpu.core_type<tc>, window_params = [{transform_indices = @transform_0, window_bounds = array<i64: 1000, 128>}, {pipeline_mode = #tpu.pipeline_mode<synchronous>, transform_indices = @transform_1, window_bounds = array<i64: 128, 128>}, {pipeline_mode = #tpu.pipeline_mode<synchronous>, transform_indices = @transform_2, window_bounds = array<i64: 1, 128>}, {transform_indices = @transform_3, window_bounds = array<i64: 1000, 128>}]} {
    %get3A = arith.constant 0 : index
    %get3A_0 = arith.constant 0 : index
    %get3A_1 = vector.load %arg1[%get3A, %get3A_0] : memref<1000x128xf32, #tpu.memory_space<vmem>>, vector<1000x128xf32>
    %get3A_2 = arith.constant 0 : index
    %get3A_3 = arith.constant 0 : index
    %get3A_4 = vector.load %arg2[%get3A_2, %get3A_3] : memref<128x128xf32, #tpu.memory_space<vmem>>, vector<128x128xf32>
    %dot_general3A = arith.constant dense<0.000000e+00> : vector<1000x128xf32>
    %dot_general3A_5 = tpu.matmul %get3A_1, %get3A_4, %dot_general3A {dimension_numbers = #tpu.dot_dimension_numbers<[1], [0], [0], [1], [0, 0, 1, 1], [], []>, transpose_lhs_hint = false} : vector<1000x128xf32>, vector<128x128xf32>, vector<1000x128xf32> -> vector<1000x128xf32>
    %get3A_6 = arith.constant 0 : index
    %get3A_7 = arith.constant 0 : index
    %get3A_8 = vector.load %arg3[%get3A_6, %get3A_7] : memref<1x128xf32, #tpu.memory_space<vmem>>, vector<1x128xf32>
    %add3A = vector.broadcast %get3A_8 : vector<1x128xf32> to vector<1000x128xf32>
    %add3A_9 = arith.addf %dot_general3A_5, %add3A : vector<1000x128xf32>
    %swap3A = arith.constant 0 : index
    %swap3A_10 = arith.constant 0 : index
    %swap3A_11 = vector.load %arg4[%swap3A, %swap3A_10] : memref<1000x128xf32, #tpu.memory_space<vmem>>, vector<1000x128xf32>
    tpu.vector_store %arg4[%swap3A, %swap3A_10], %add3A_9 {strides = array<i32>} : memref<1000x128xf32, #tpu.memory_space<vmem>>, vector<1000x128xf32>,
    return
  }
  func.func @transform_0(%arg0: i32) -> (i32, i32) {
    %c0_i32 = arith.constant 0 : i32
    %c0_i32_0 = arith.constant 0 : i32
    return %arg0, %c0_i32 : i32, i32
  }
  func.func @transform_1(%arg0: i32) -> (i32, i32) {
    %c0_i32 = arith.constant 0 : i32
    %c0_i32_0 = arith.constant 0 : i32
    %c0_i32_1 = arith.constant 0 : i32
    return %c0_i32, %c0_i32_0 : i32, i32
  }
  func.func @transform_2(%arg0: i32) -> (i32, i32) {
    %c0_i32 = arith.constant 0 : i32
    %c0_i32_0 = arith.constant 0 : i32
    %c0_i32_1 = arith.constant 0 : i32
    return %c0_i32, %c0_i32_0 : i32, i32
  }
  func.func @transform_3(%arg0: i32) -> (i32, i32) {
    %c0_i32 = arith.constant 0 : i32
    %c0_i32_0 = arith.constant 0 : i32
    return %arg0, %c0_i32 : i32, i32
  }
}

module attributes {stable_mosaic.version = 14 : i64} {
  func.func @_mlp_body(%arg0: i32, %arg1: memref<1000x128xf32, #tpu.memory_space<vmem>>, %arg2: memref<128x128xf32, #tpu.memory_space<vmem>>, %arg3: memref<1x128xf32, #tpu.memory_space<vmem>>, %arg4: memref<1000x128xf32, #tpu.memory_space<vmem>>) attributes {dimension_semantics = [#tpu.dimension_semantics<arbitrary>], iteration_bounds = array<i64: 10>, scalar_prefetch = 0 : i64, scratch_operands = 0 : i64, tpu.core_type = #tpu.core_type<tc>, window_params = [{transform_indices = @transform_0, window_bounds = array<i64: 1000, 128>}, {pipeline_mode = #tpu.pipeline_mode<synchronous>, transform_indices = @transform_1, window_bounds = array<i64: 128, 128>}, {pipeline_mode = #tpu.pipeline_mode<synchronous>, transform_indices = @transform_2, window_bounds = array<i64: 1, 128>}, {transform_indices = @transform_3, window_bounds = array<i64: 1000, 128>}]} {
    %get3A = arith.constant 0 : index
    %get3A_0 = arith.constant 0 : index
    %get3A_1 = vector.load %arg1[%get3A, %get3A_0] : memref<1000x128xf32, #tpu.memory_space<vmem>>, vector<1000x128xf32>
    %get3A_2 = arith.constant 0 : index
    %get3A_3 = arith.constant 0 : index
    %get3A_4 = vector.load %arg2[%get3A_2, %get3A_3] : memref<128x128xf32, #tpu.memory_space<vmem>>, vector<128x128xf32>
    %dot_general3A = arith.constant dense<0.000000e+00> : vector<1000x128xf32>
    %dot_general3A_5 = tpu.matmul %get3A_1, %get3A_4, %dot_general3A {dimension_numbers = #tpu.dot_dimension_numbers<[1], [0], [0], [1], [0, 0, 1, 1], [], []>, transpose_lhs_hint = false} : vector<1000x128xf32>, vector<128x128xf32>, vector<1000x128xf32> -> vector<1000x128xf32>
    %get3A_6 = arith.constant 0 : index
    %get3A_7 = arith.constant 0 : index
    %get3A_8 = vector.load %arg3[%get3A_6, %get3A_7] : memref<1x128xf32, #tpu.memory_space<vmem>>, vector<1x128xf32>
    %add3A = vector.broadcast %get3A_8 : vector<1x128xf32> to vector<1000x128xf32>
    %add3A_9 = arith.addf %dot_general3A_5, %add3A : vector<1000x128xf32>
    %max3A = arith.constant 0.000000e+00 : f32
    %max3A_10 = vector.broadcast %max3A : f32 to vector<1000x128xf32>
    %max3A_11 = arith.maximumf %add3A_9, %max3A_10 : vector<1000x128xf32>
    %swap3A = arith.constant 0 : index
    %swap3A_12 = arith.constant 0 : index
    %swap3A_13 = vector.load %arg4[%swap3A, %swap3A_12] : memref<1000x128xf32, #tpu.memory_space<vmem>>, vector<1000x128xf32>
    tpu.vector_store %arg4[%swap3A, %swap3A_12], %max3A_11 {strides = array<i32>} : memref<1000x128xf32, #tpu.memory_space<vmem>>, vector<1000x128xf32>,
    return
  }
  func.func @transform_0(%arg0: i32) -> (i32, i32) {
    %c0_i32 = arith.constant 0 : i32
    %c0_i32_0 = arith.constant 0 : i32
    return %arg0, %c0_i32 : i32, i32
  }
  func.func @transform_1(%arg0: i32) -> (i32, i32) {
    %c0_i32 = arith.constant 0 : i32
    %c0_i32_0 = arith.constant 0 : i32
    %c0_i32_1 = arith.constant 0 : i32
    return %c0_i32, %c0_i32_0 : i32, i32
  }
  func.func @transform_2(%arg0: i32) -> (i32, i32) {
    %c0_i32 = arith.constant 0 : i32
    %c0_i32_0 = arith.constant 0 : i32
    %c0_i32_1 = arith.constant 0 : i32
    return %c0_i32, %c0_i32_0 : i32, i32
  }
  func.func @transform_3(%arg0: i32) -> (i32, i32) {
    %c0_i32 = arith.constant 0 : i32
    %c0_i32_0 = arith.constant 0 : i32
    return %arg0, %c0_i32 : i32, i32
  }
}

</mosaic_0001>

<sc_bundles>
// kernel: kernel.11.cloned.1.call-start
scs
__scs_entry_jumppad:
0x0: {  	(pc) =	sbr.rel $0x88, $3  }
0x1: {  	(tag) =	ssettag $0x0;
	lr =	simm.s32 $0x1  }
0x2: {  	[smem:$0x3F99] =	sst lr;
	_ =	strace $0xD0000000  }
0x3: {  	_ = 	snop  }
0x4: {  	_ = 	snop  }
0x5: {  	_ = 	snop  }
0x6: {  	_ = 	snop  }
0x7: {  	_ = 	snop  }
__scs_overlays_trampoline_lowered:
0x8: {  	[smem:$0x3FA8] =	sst s0  }
0x9: {  	[smem:$0x3FA9] =	sst s1  }
0xa: {  	[smem:$0x3FAA] =	sst s2  }
0xb: {  	[smem:$0x3FAB] =	sst s3  }
0xc: {  	[smem:$0x3FAC] =	sst s4  }
0xd: {  	[smem:$0x3FAD] =	sst s5  }
0xe: {  	[smem:$0x3FAE] =	sst s6  }
0xf: {  	[smem:$0x3FAF] =	sst s7  }
0x10: {  	[smem:$0x3FB0] =	sst s8  }
0x11: {  	[smem:$0x3FB1] =	sst s9;
	s0 =	simm.s32 @!p0 $0x0  }
0x12: {  	s1 =	sld [smem:$0x3F97];
	s0 =	simm.s32 @p0 $0x1  }
0x13: {  	[smem:$0x3FB2] =	sst s0;
	s0 =	simm.s32 @!p1 $0x0  }
0x14: {  	s2 =	sld [smem:$0x3F96];
	s0 =	simm.s32 @p1 $0x1  }
0x15: {  	[smem:$0x3FB3] =	sst s0;
	s0 =	simm.s32 @!p2 $0x0  }
0x16: {  	s3 =	sld [smem:$0x3FDB];
	s0 =	simm.s32 @p2 $0x1  }
0x17: {  	s4 =	simm.s32 $0x1BF5;
	[smem:$0x3FB5] =	sst s0  }
0x18: {  	s0 =	sld [smem:$0x3F98];
	_ =	swait.ge [sflag:s4], $0x0  }
0x19: {  	s7 =	sld [smem:$0x3F99]  }
0x1a: {  	s8 =	sadd.s32 $0xFFFFE003, lr  }
0x1b: {  	s9 =	sadd.s32 $0xFFFFFEF7, lr;
	s5 =	simm.s32 $0xFFFFFFFF;
	p2 =	slt.u32 s8, $0xFFFFF086  }
0x1c: {  	p1 =	slt.u32 s9, $0xF7A;
	s5 =	simm.s32 @!p2 $0x0  }
0x1d: {  	s5 =	simm.s32 @p1 $0x1;
	p0 =	seq.s32 s7, s2  }
0x1e: {  	s7 =	smul.u32 @!p0 $0xF7A, s2;
	p2 =	seq.s32 @!p0 s5, $0x0  }
0x1f: {  	s9 =	smul.u32 $0xF7A, s1;
	s8 =	simm.s32 @!p0 $0x1BF5;
	p2 =	por !p2, p0  }
0x20: {  	[sflag:s8] =	ssyncset.s32 @!p0 $0xFFFFF086;
	s6 =	sadd.s32 @!p0 s3, s7;
	s7 =	simm.s32 @!p0 $0x108  }
0x21: {  	s3 =	sadd.s32 s3, s9;
	s6 =	sadd.s32 @!p0 $0x88, s6;
	s7 =	simm.s32 @p2 $0x1082  }
0x22: {  	[simem:s7], [sflag:s8] =	dma.local @!p0 [hbm:s6], $0xF7A  }
0x23: {  	s9 =	sor.u32 $0xD0000000, s2;
	s6 =	simm.s32 $0x108;
	_ =	swait.ge @!p0 [sflag:s8], $0x0  }
0x24: {  	s3 =	sadd.s32 $0x88, s3;
	s6 =	simm.s32 @!p1 $0x1082;
	[sflag:s4] =	ssyncset.s32 $0xFFFFF086  }
0x25: {  	[simem:s6], [sflag:s4] =	dma.local [hbm:s3], $0xF7A  }
0x26: {  	[smem:$0x3F99] =	sst s1;
	(tag) =	ssettag s2;
	_ =	strace s9  }
0x27: {  	s1 =	sld [smem:$0x3FA9]  }
0x28: {  	s2 =	sld [smem:$0x3FAA]  }
0x29: {  	s4 =	sld [smem:$0x3FAC]  }
0x2a: {  	p0 =	seq.s32 s5, $0x0;
	s5 =	sld [smem:$0x3FAD]  }
0x2b: {  	s6 =	sld [smem:$0x3FAE]  }
0x2c: {  	s7 =	sld [smem:$0x3FAF]  }
0x2d: {  	s3 =	simm.s32 $0x108;
	s8 =	sld [smem:$0x3FB0]  }
0x2e: {  	s3 =	simm.s32 @!p0 $0x1082;
	s9 =	sld [smem:$0x3FB1]  }
0x2f: {  	lr =	sadd.s32 s0, s3;
	s0 =	sld [smem:$0x3FA8]  }
0x30: {  	s3 =	sld [smem:$0x3FAB]  }
0x31: {  	[smem:$0x3FB4] =	sst s10  }
0x32: {  	s10 =	sld [smem:$0x3FB2];
	_ =	sdelay $0x3  }
0x33: {  	p0 =	seq.s32 s10, $0x1;
	s10 =	sld [smem:$0x3FB4];
	_ =	sdelay $0x3  }
0x34: {  	[smem:$0x3FB4] =	sst s10  }
0x35: {  	s10 =	sld [smem:$0x3FB3];
	_ =	sdelay $0x3  }
0x36: {  	p1 =	seq.s32 s10, $0x1;
	s10 =	sld [smem:$0x3FB4];
	_ =	sdelay $0x3  }
0x37: {  	[smem:$0x3FB4] =	sst s10  }
0x38: {  	s10 =	sld [smem:$0x3FB5]  }
0x39: {  	_ = 	snop;
	(pc) =	sbr.ind lr, $3  }
0x3a: {  	_ = 	snop  }
0x3b: {  	_ = 	snop  }
0x3c: {  	p2 =	seq.s32 s10, $0x1;
	s10 =	sld [smem:$0x3FB4]  }
0x3d: {  	_ =	shalt  }
0x3e: {  	_ =	shalt  }
0x3f: {  	_ =	shalt  }
0x40: {  	_ =	shalt  }
0x41: {  	_ =	shalt  }
0x42: {  	_ =	shalt  }
0x43: {  	_ =	shalt  }
0x44: {  	_ =	shalt  }
0x45: {  	_ =	shalt  }
0x46: {  	_ =	shalt  }
0x47: {  	_ =	shalt  }
0x48: {  	_ =	shalt  }
0x49: {  	_ =	shalt  }
0x4a: {  	_ =	shalt  }
0x4b: {  	_ =	shalt  }
0x4c: {  	_ =	shalt  }
0x4d: {  	_ =	shalt  }
0x4e: {  	_ =	shalt  }
0x4f: {  	_ =	shalt  }
0x50: {  	_ =	shalt  }
0x51: {  	_ =	shalt  }
0x52: {  	_ =	shalt  }
0x53: {  	_ =	shalt  }
0x54: {  	_ =	shalt  }
0x55: {  	_ =	shalt  }
0x56: {  	_ =	shalt  }
0x57: {  	_ =	shalt  }
0x58: {  	_ =	shalt  }
0x59: {  	_ =	shalt  }
0x5a: {  	_ =	shalt  }
0x5b: {  	_ =	shalt  }
0x5c: {  	_ =	shalt  }
0x5d: {  	_ =	shalt  }
0x5e: {  	_ =	shalt  }
0x5f: {  	_ =	shalt  }
0x60: {  	_ =	shalt  }
0x61: {  	_ =	shalt  }
0x62: {  	_ =	shalt  }
0x63: {  	_ =	shalt  }
0x64: {  	_ =	shalt  }
0x65: {  	_ =	shalt  }
0x66: {  	_ =	shalt  }
0x67: {  	_ =	shalt  }
0x68: {  	_ =	shalt  }
0x69: {  	_ =	shalt  }
0x6a: {  	_ =	shalt  }
0x6b: {  	_ =	shalt  }
0x6c: {  	_ =	shalt  }
0x6d: {  	_ =	shalt  }
0x6e: {  	_ =	shalt  }
0x6f: {  	_ =	shalt  }
0x70: {  	_ =	shalt  }
0x71: {  	_ =	shalt  }
0x72: {  	_ =	shalt  }
0x73: {  	_ =	shalt  }
0x74: {  	_ =	shalt  }
0x75: {  	_ =	shalt  }
0x76: {  	_ =	shalt  }
0x77: {  	_ =	shalt  }
0x78: {  	_ =	shalt  }
0x79: {  	_ =	shalt  }
0x7a: {  	_ =	shalt  }
0x7b: {  	_ =	shalt  }
0x7c: {  	_ =	shalt  }
0x7d: {  	_ =	shalt  }
0x7e: {  	_ =	shalt  }
0x7f: {  	_ =	shalt  }
0x80: {  	_ =	shalt  }
0x81: {  	_ =	shalt  }
0x82: {  	_ =	shalt  }
0x83: {  	_ =	shalt  }
0x84: {  	_ =	shalt  }
0x85: {  	_ =	shalt  }
0x86: {  	_ =	shalt  }
0x87: {  	_ =	shalt  }
.Lfunc_end0:
.L_simem_size_0:
called_computation.1_lowered:
.L_overlay_start_0:
0x88: {  	s2 =	sld [smem:$0x3FD9]  }
0x89: {  	s3 =	sld [smem:$0x3FFE];
	_ =	sdelay $0x1  }
0x8a: {  	s1 =	srdreg.scid  }
0x8b: {  	s0 =	sand.u32 $0x1, s1  }
0x8c: {  	s17 =	sshll.u32 s0, $0xA;
	s2 =	sadd.s32 s3, s2  }
0x8d: {  	s2 =	sadd.s32 s2, s17  }
0x8e: {  	[smem:$0x3FC0] =	sst s2  }
0x8f: {  	_ = 	snop  }
0x90: {  	s2 =	sld [smem:$0x3FD0];
	(tm) =	ssettm $0x1  }
0x91: {  	s18 =	sld [smem:$0x3FFB];
	_ =	sdelay $0x3  }
0x92: {  	_ =	strace s18  }
0x93: {  	s3 =	sld [smem:$0x3FFC];
	_ =	sdelay $0x3  }
0x94: {  	_ =	strace s3  }
0x95: {  	s3 =	sld [smem:$0x3FFD];
	_ =	sdelay $0x3  }
0x96: {  	_ =	strace s3  }
0x97: {  	_ =	strace $0x8FFFFFFF  }
0x98: {  	s19 =	sld [smem:$0x3FDB];
	_ =	sdelay $0x1  }
0x99: {  	s4 =	simm.s32 $_scs_section_size  }
0x9a: {  	s5 =	simm.s32 $_size__tile_overlayer_lowered;
	s6 =	simm.s32 $_tile_overlayer_lowered  }
0x9b: {  	s22 =	simm.s32 $0x1BFF;
	s21 =	sshll.u32 s6, $0x1;
	s3 =	sadd.s32 s4, s19  }
0x9c: {  	s7 =	simm.s32 $0x0;
	s20 =	sshll.u32 s5, $0x1;
	s5 =	sadd.s32 s21, s3  }
0x9d: {  	[timem:s7], [sflag:s22] =	dma.local [hbm:s5], s20  }
0x9e: {  	_ =	swait.ge [sflag:s22], s20  }
0x9f: {  	s4 =	ssub.s32 $0x0, s20;
	[sflag:s22] =	ssyncset.done $0x0  }
0xa0: {  	[sflag:s22] =	ssyncadd.s32 s4;
	_ =	sdelay $0x1  }
0xa1: {  	s23 =	simm.s32 $0x1B8B  }
0xa2: {  	_ =	swait.ge [sflag:s23], $0x1  }
0xa3: {  	[sflag:s23] =	ssyncset.done $0x0  }
0xa4: {  	s25 =	simm.s32 $0x1B8E;
	s24 =	sld [smem:$0x3FFE];
	[sflag:s23] =	ssyncadd.s32 $0xFFFFFFFF  }
0xa5: {  	s26 =	simm.s32 $execute0_lowered;
	[smem:$0x3FD2] =	sst s25  }
0xa6: {  	s5 =	sshll.u32 s26, $0x1;
	_ =	strace $0x80000049;
	[dreg:$0x1] =	wrdreg $0xFFFFFFFF  }
0xa7: {  	s28 =	simm.s32 $_size_execute0_lowered;
	s3 =	sadd.s32 s3, s5;
	[dreg:$0x0] =	wrdreg $0x0  }
0xa8: {  	s5 =	sshll.u32 s28, $0x1;
	[dreg:$0x2] =	wrdreg s3  }
0xa9: {  	[dreg:$0x3] =	wrdreg s5  }
0xaa: {  	[dreg:$0x4] =	wrdreg $0xC0  }
0xab: {  	_ =	task [dreg:s7], $0x5FFFF  }
0xac: {  	[dreg:$0x1] =	wrdreg $0xFFFFFFFF  }
0xad: {  	[dreg:$0x0] =	wrdreg $0x60  }
0xae: {  	[dreg:$0x2] =	wrdreg s2  }
0xaf: {  	[dreg:$0x3] =	wrdreg s24  }
0xb0: {  	[dreg:$0x4] =	wrdreg $0x0  }
0xb1: {  	[dreg:$0x5] =	wrdreg $0x9C400  }
0xb2: {  	[dreg:$0x6] =	wrdreg $0x9  }
0xb3: {  	_ =	task.clear_ibuf [dreg:s7], $0x7FFFF;
	_ =	strace $0x90000049  }
0xb4: {  	s29 =	simm.s32 $0x9;
	_ =	strace $0x8000004B  }
0xb5: {  	_ =	swait.ge [sflag:s29], $0x1  }
0xb6: {  	[sflag:s29] =	ssyncadd.s32 $0xFFFFFFFF  }
0xb7: {  	_ =	strace $0x9000004B  }
0xb8: {  	_ =	sfence  }
0xb9: {  	s30 =	sld [smem:$0x0];
	_ =	sdelay $0x2  }
0xba: {  	s31 =	sshll.u32 s1, $0xD;
	s1 =	sshrl.u32 s1, $0x2  }
0xbb: {  	s3 =	sand.u32 $0x4000, s31;
	s1 =	sadd.s32 s1, s30  }
0xbc: {  	s0 =	sor.u32 s3, s0;
	s1 =	sshll.u32 s1, $0x11  }
0xbd: {  	s0 =	sor.u32 s1, s0  }
0xbe: {  	s0 =	sadd.s32 $0x8F2B, s0  }
0xbf: {  	[sflag:s0] =	ssyncadd.remote.s32 $0x1  }
0xc0: {  	_ =	sfence.sel $0xFFFF  }
0xc1: {  	[dreg:$0x0] =	wrdreg $0xFFFFFFFF;
	(pc) =	sbr.abs _section_cstart, $3  }
0xc2: {  	[dreg:$0x1] =	wrdreg $0xFFFFFFFF  }
0xc3: {  	_ =	task.clear_ibuf [dreg:s7], $0x2FFFF;
	_ =	strace $0x9FFFFFFF  }
0xc4: {  	(tm) =	ssettm $0x7FFFFFFF  }
0xc5: {  	_ =	shalt  }
tec
execute0_lowered:
.L_overlay_start_1:
0x0: {  	(tag) =	ssettag $0x1  }
0x1: {  	s0 =	rddreg [dreg:$0x0]  }
0x2: {  	s2 =	rddreg [dreg:$0x1]  }
0x3: {  	s1 =	rddreg [dreg:$0x2]  }
0x4: {  	s3 =	rddreg [dreg:$0x3];
	s4 =	simm.s32 $0x0;
	s5 =	srdreg.scid  }
0x5: {  	s13 =	stileid.u32;
	s14 =	simm.s32 $0x8;
	s16 =	simm.s32 $0x9  }
0x6: {  	s18 =	simm.s32 $0x138A0;
	s19 =	simm.s32 $0x14CA0;
	s20 =	simm.s32 $0x80  }
0x7: {  	s21 =	simm.s32 $0x160A0;
	s28 =	simm.s32 $0x4;
	s29 =	simm.s32 $0x5  }
0x8: {  	s30 =	simm.s32 $0x6;
	s31 =	simm.s32 $0x7;
	[smem:$0x7FF] =	sst s4  }
0x9: {  	s6 =	sand.u32 $0x1, s5;
	s7 =	smul.u32 $0x13880, s13;
	s5 =	sadd.s32 $0xBA00, s2  }
0xa: {  	s10 =	smul.u32 $0x9C40, s13;
	s23 =	sshll.u32 s13, $0x6;
	_ =	strace $0x8000004A  }
0xb: {  	s8 =	sshll.u32 s6, $0x6;
	s22 =	ssub.s32 $0x2, s6;
	s6 =	sadd.s32 $0x1A00, s2  }
0xc: {  	s7 =	sor.u32 s8, s7;
	s9 =	sshrl.u32 s22, $0x1;
	s12 =	sadd.s32 s10, s1  }
0xd: {  	s8 =	sor.u32 $0x1C09, s23;
	s24 =	sadd.s32 s10, s3;
	s23 =	simm.s32 $0x1A0A0  }
0xe: {  	s7 =	sshrl.u32 s7, $0x3;
	s11 =	ssub.s32 s22, s9;
	s9 =	smul.u32 $0xA0, s13  }
0xf: {  	s26 =	sshrl.u32 s12, $0x3;
	s13 =	simm.s32 $0x1;
	s17 =	sshrl.u32 s24, $0x3  }
0x10: {  	s22 =	simm.s32 $0x180A0;
	s24 =	simm.s32 $0x1C0A0;
	s2 =	sadd.s32 s7, s2  }
0x11: {  	s7 =	sadd.s32 s0, s7;
	s25 =	smax.u32 s11, $0x1;
	[dreg:$0x7] =	wrdreg s26  }
0x12: {  	s26 =	simm.s32 $0x3;
	s2 =	sadd.s32 $0x15A00, s2;
	[dreg:$0x6] =	wrdreg s25  }
0x13: {  	s25 =	simm.s32 $0x2;
	[dreg:$0x5] =	wrdreg s2;
	s2 =	simm.s32 $0x10  }
.LBB2_1:
0x14: {  	s0 =	rddreg [dreg:$0x7]  }
0x15: {  	[spmem:s0@s14], [sflag:s8] =	dma.strided [hbm:s7@s2], $0x1388, s13, $0x8   }
0x16: {  	_ =	swait.ge [sflag:s16], $0x1388  }
0x17: {  	[sflag:s16] =	ssyncset.done $0x0  }
0x18: {  	[sflag:s16] =	ssyncadd.s32 $0xFFFFEC78  }
0x19: {  	[spmem:s17@s14], [sflag:s8] =	dma.strided [hbm:s7@s2], $0x1388, s13, $0x8   }
0x1a: {  	_ =	swait.ge [sflag:s16], $0x1388  }
0x1b: {  	[sflag:s16] =	ssyncset.done $0x0  }
0x1c: {  	[sflag:s16] =	ssyncadd.s32 $0xFFFFEC78  }
0x1d: {  	s0 =	simm.s32 $0x0;
	[bflag:$0x0] =	sbarrier.arrive $0xFFFF  }
.LBB2_2:
0x1e: {  	s2 =	smul.u32 $0x28, s0;
	_ =	sdelay $0x1  }
0x1f: {  	s2 =	sadd.s32 s9, s2  }
0x20: {  	s2 =	sshll.u32 s2, $0x4  }
0x21: {  	s11 =	simm.s32 $0x0;
	s10 =	sadd.s32 s5, s2  }
0x22: {  	[tilespmem:s18], [sflag:$0x9] =	stream.linear.gather [hbm4b:s10+s11], $0x1400, $0x38;
	[tilespmem:$0x1E0A0] =	vst v63  }
0x23: {  	_ =	swait.ge [sflag:s16], $0x1400  }
0x24: {  	[sflag:s16] =	ssyncset.done $0x0  }
0x25: {  	s2 =	sadd.s32 s6, s2;
	[sflag:s16] =	ssyncadd.s32 $0xFFFFEC00  }
0x26: {  	[tilespmem:s19], [sflag:$0x9] =	stream.linear.gather [hbm4b:s2+s11], $0x1400, $0x38;
	[tilespmem:$0x1E0A0] =	vst v63  }
0x27: {  	_ =	swait.ge [sflag:s16], $0x1400  }
0x28: {  	[sflag:s16] =	ssyncset.done $0x0  }
0x29: {  	s10 =	simm.s32 $0x138A0;
	[sflag:s16] =	ssyncadd.s32 $0xFFFFEC00  }
0x2a: {  	[tilespmem:s21], [sflag:$0x1] =	stream.indirect.gather [spmem:s1], $0x40, s10, s20, $0xb8;
	[tilespmem:$0x1E0A0] =	vst v63  }
0x2b: {  	s11 =	simm.s32 $0x13920  }
0x2c: {  	[tilespmem:s22], [sflag:$0x2] =	stream.indirect.gather [spmem:s1], $0x40, s11, s20, $0xb8;
	[tilespmem:$0x1E0A0] =	vst v63  }
0x2d: {  	s12 =	simm.s32 $0x139A0  }
0x2e: {  	[tilespmem:s23], [sflag:$0x3] =	stream.indirect.gather [spmem:s1], $0x40, s12, s20, $0xb8;
	[tilespmem:$0x1E0A0] =	vst v63  }
0x2f: {  	s15 =	simm.s32 $0x13A20  }
0x30: {  	[tilespmem:s24], [sflag:$0x4] =	stream.indirect.gather [spmem:s1], $0x40, s15, s20, $0xb8;
	[tilespmem:$0x1E0A0] =	vst v63  }
0x31: {  	_ =	swait.ge [sflag:s13], $0x2000  }
0x32: {  	[sflag:s13] =	ssyncset.done $0x0  }
0x33: {  	s10 =	simm.s32 $0x14CA0;
	[sflag:s13] =	ssyncadd.s32 $0xFFFFE000  }
0x34: {  	[spmem:s3] =	stream.indirect.scatter.add.f32 [tilespmem:s21], [sflag:$0x5], $0x40, s10, s20, $0xb8;
	[tilespmem:$0x1E0A0] =	vst v63  }
0x35: {  	_ =	swait.ge [sflag:s25], $0x2000  }
0x36: {  	[sflag:s25] =	ssyncset.done $0x0  }
0x37: {  	s11 =	simm.s32 $0x14D20;
	[sflag:s25] =	ssyncadd.s32 $0xFFFFE000  }
0x38: {  	[spmem:s3] =	stream.indirect.scatter.add.f32 [tilespmem:s22], [sflag:$0x6], $0x40, s11, s20, $0xb8;
	[tilespmem:$0x1E0A0] =	vst v63  }
0x39: {  	_ =	swait.ge [sflag:s26], $0x2000  }
0x3a: {  	[sflag:s26] =	ssyncset.done $0x0  }
0x3b: {  	s12 =	simm.s32 $0x14DA0;
	[sflag:s26] =	ssyncadd.s32 $0xFFFFE000  }
0x3c: {  	[spmem:s3] =	stream.indirect.scatter.add.f32 [tilespmem:s23], [sflag:$0x7], $0x40, s12, s20, $0xb8;
	[tilespmem:$0x1E0A0] =	vst v63  }
0x3d: {  	_ =	swait.ge [sflag:s28], $0x2000  }
0x3e: {  	[sflag:s28] =	ssyncset.done $0x0  }
0x3f: {  	s15 =	simm.s32 $0x14E20;
	[sflag:s28] =	ssyncadd.s32 $0xFFFFE000  }
0x40: {  	[spmem:s3] =	stream.indirect.scatter.add.f32 [tilespmem:s24], [sflag:$0x8], $0x40, s15, s20, $0xb8;
	[tilespmem:$0x1E0A0] =	vst v63  }
0x41: {  	_ =	swait.ge [sflag:s29], $0x2000  }
0x42: {  	[sflag:s29] =	ssyncset.done $0x0  }
0x43: {  	[sflag:s29] =	ssyncadd.s32 $0xFFFFE000  }
0x44: {  	_ =	swait.ge [sflag:s30], $0x2000  }
0x45: {  	[sflag:s30] =	ssyncset.done $0x0  }
0x46: {  	[sflag:s30] =	ssyncadd.s32 $0xFFFFE000  }
0x47: {  	_ =	swait.ge [sflag:s31], $0x2000  }
0x48: {  	[sflag:s31] =	ssyncset.done $0x0  }
0x49: {  	[sflag:s31] =	ssyncadd.s32 $0xFFFFE000  }
0x4a: {  	_ =	swait.ge [sflag:s14], $0x2000  }
0x4b: {  	s2 =	simm.s32 $0x200;
	s10 =	simm.s32 $0x1000;
	[sflag:s14] =	ssyncset.done $0x0  }
.LBB2_3:
0x4c: {  	s15 =	sadd.s32 $0x138A0, s2  }
0x4d: {  	[sflag:s14] =	ssyncadd.s32 $0xFFFFE000;
	s11 =	smov.u32 s10;
	s12 =	sadd.s32 $0x800, s10  }
0x4e: {  	[tilespmem:s21], [sflag:$0x1] =	stream.indirect.gather [spmem:s1], $0x40, s15, s20, $0xb8;
	[tilespmem:$0x1E0A0] =	vst v63  }
0x4f: {  	p0 =	sne.s32 s10, $0x4800;
	s10 =	sadd.s32 $0x13920, s2  }
0x50: {  	[tilespmem:s22], [sflag:$0x2] =	stream.indirect.gather [spmem:s1], $0x40, s10, s20, $0xb8;
	[tilespmem:$0x1E0A0] =	vst v63  }
0x51: {  	s10 =	sadd.s32 $0x139A0, s2  }
0x52: {  	[tilespmem:s23], [sflag:$0x3] =	stream.indirect.gather [spmem:s1], $0x40, s10, s20, $0xb8;
	[tilespmem:$0x1E0A0] =	vst v63  }
0x53: {  	s10 =	sadd.s32 $0x13A20, s2  }
0x54: {  	[tilespmem:s24], [sflag:$0x4] =	stream.indirect.gather [spmem:s1], $0x40, s10, s20, $0xb8;
	[tilespmem:$0x1E0A0] =	vst v63  }
0x55: {  	_ =	swait.ge [sflag:s13], $0x2000  }
0x56: {  	[sflag:s13] =	ssyncset.done $0x0  }
0x57: {  	s10 =	sadd.s32 $0x14CA0, s2;
	[sflag:s13] =	ssyncadd.s32 $0xFFFFE000  }
0x58: {  	[spmem:s3] =	stream.indirect.scatter.add.f32 [tilespmem:s21], [sflag:$0x5], $0x40, s10, s20, $0xb8;
	[tilespmem:$0x1E0A0] =	vst v63  }
0x59: {  	_ =	swait.ge [sflag:s25], $0x2000  }
0x5a: {  	[sflag:s25] =	ssyncset.done $0x0  }
0x5b: {  	s10 =	sadd.s32 $0x14D20, s2;
	[sflag:s25] =	ssyncadd.s32 $0xFFFFE000  }
0x5c: {  	[spmem:s3] =	stream.indirect.scatter.add.f32 [tilespmem:s22], [sflag:$0x6], $0x40, s10, s20, $0xb8;
	[tilespmem:$0x1E0A0] =	vst v63  }
0x5d: {  	_ =	swait.ge [sflag:s26], $0x2000  }
0x5e: {  	[sflag:s26] =	ssyncset.done $0x0  }
0x5f: {  	s10 =	sadd.s32 $0x14DA0, s2;
	[sflag:s26] =	ssyncadd.s32 $0xFFFFE000  }
0x60: {  	[spmem:s3] =	stream.indirect.scatter.add.f32 [tilespmem:s23], [sflag:$0x7], $0x40, s10, s20, $0xb8;
	[tilespmem:$0x1E0A0] =	vst v63  }
0x61: {  	_ =	swait.ge [sflag:s28], $0x2000  }
0x62: {  	[sflag:s28] =	ssyncset.done $0x0  }
0x63: {  	s2 =	sadd.s32 $0x14E20, s2;
	[sflag:s28] =	ssyncadd.s32 $0xFFFFE000  }
0x64: {  	[spmem:s3] =	stream.indirect.scatter.add.f32 [tilespmem:s24], [sflag:$0x8], $0x40, s2, s20, $0xb8;
	[tilespmem:$0x1E0A0] =	vst v63  }
0x65: {  	_ =	swait.ge [sflag:s29], $0x2000  }
0x66: {  	[sflag:s29] =	ssyncset.done $0x0  }
0x67: {  	[sflag:s29] =	ssyncadd.s32 $0xFFFFE000  }
0x68: {  	_ =	swait.ge [sflag:s30], $0x2000  }
0x69: {  	[sflag:s30] =	ssyncset.done $0x0  }
0x6a: {  	[sflag:s30] =	ssyncadd.s32 $0xFFFFE000  }
.Ltmp0:
0x6b: {  	_ =	swait.ge [sflag:s31], $0x2000;
	(pc) =	sbr.rel @p0 .LBB2_3-.Ltmp0, $4  }
0x6c: {  	[sflag:s31] =	ssyncset.done $0x0  }
0x6d: {  	[sflag:s31] =	ssyncadd.s32 $0xFFFFE000  }
0x6e: {  	_ =	swait.ge [sflag:s14], $0x2000  }
0x6f: {  	s10 =	smov.u32 s12;
	s2 =	sshra.s32 s11, $0x2;
	[sflag:s14] =	ssyncset.done $0x0  }
0x70: {  	s10 =	sadd.s32 $0x138A0, s2;
	[sflag:s14] =	ssyncadd.s32 $0xFFFFE000  }
0x71: {  	[tilespmem:s21], [sflag:$0x1] =	stream.indirect.gather [spmem:s1], $0x40, s10, s20, $0xb8;
	[tilespmem:$0x1E0A0] =	vst v63  }
0x72: {  	s15 =	sadd.s32 $0x13920, s2  }
0x73: {  	[tilespmem:s22], [sflag:$0x2] =	stream.indirect.gather [spmem:s1], $0x40, s15, s20, $0xb8;
	[tilespmem:$0x1E0A0] =	vst v63  }
0x74: {  	s11 =	sadd.s32 $0x139A0, s2  }
0x75: {  	[tilespmem:s23], [sflag:$0x3] =	stream.indirect.gather [spmem:s1], $0x40, s11, s20, $0xb8;
	[tilespmem:$0x1E0A0] =	vst v63  }
0x76: {  	s12 =	sadd.s32 $0x13A20, s2  }
0x77: {  	[tilespmem:s24], [sflag:$0x4] =	stream.indirect.gather [spmem:s1], $0x40, s12, s20, $0xb8;
	[tilespmem:$0x1E0A0] =	vst v63  }
0x78: {  	_ =	swait.ge [sflag:s13], $0x2000  }
0x79: {  	[sflag:s13] =	ssyncset.done $0x0  }
0x7a: {  	s15 =	sadd.s32 $0x14CA0, s2;
	[sflag:s13] =	ssyncadd.s32 $0xFFFFE000  }
0x7b: {  	[spmem:s3] =	stream.indirect.scatter.add.f32 [tilespmem:s21], [sflag:$0x5], $0x40, s15, s20, $0xb8;
	[tilespmem:$0x1E0A0] =	vst v63  }
0x7c: {  	_ =	swait.ge [sflag:s25], $0x2000  }
0x7d: {  	[sflag:s25] =	ssyncset.done $0x0  }
0x7e: {  	s11 =	sadd.s32 $0x14D20, s2;
	[sflag:s25] =	ssyncadd.s32 $0xFFFFE000  }
0x7f: {  	[spmem:s3] =	stream.indirect.scatter.add.f32 [tilespmem:s22], [sflag:$0x6], $0x40, s11, s20, $0xb8;
	[tilespmem:$0x1E0A0] =	vst v63  }
0x80: {  	_ =	swait.ge [sflag:s26], $0x2000  }
0x81: {  	[sflag:s26] =	ssyncset.done $0x0  }
0x82: {  	s12 =	sadd.s32 $0x14DA0, s2;
	[sflag:s26] =	ssyncadd.s32 $0xFFFFE000  }
0x83: {  	[spmem:s3] =	stream.indirect.scatter.add.f32 [tilespmem:s23], [sflag:$0x7], $0x40, s12, s20, $0xb8;
	[tilespmem:$0x1E0A0] =	vst v63  }
0x84: {  	_ =	swait.ge [sflag:s28], $0x2000  }
0x85: {  	[sflag:s28] =	ssyncset.done $0x0  }
0x86: {  	s15 =	sadd.s32 $0x14E20, s2;
	[sflag:s28] =	ssyncadd.s32 $0xFFFFE000  }
0x87: {  	[spmem:s3] =	stream.indirect.scatter.add.f32 [tilespmem:s24], [sflag:$0x8], $0x40, s15, s20, $0xb8;
	[tilespmem:$0x1E0A0] =	vst v63  }
0x88: {  	_ =	swait.ge [sflag:s29], $0x2000  }
0x89: {  	[sflag:s29] =	ssyncset.done $0x0  }
0x8a: {  	[sflag:s29] =	ssyncadd.s32 $0xFFFFE000  }
0x8b: {  	_ =	swait.ge [sflag:s30], $0x2000  }
0x8c: {  	[sflag:s30] =	ssyncset.done $0x0  }
0x8d: {  	s0 =	sadd.s32 $0x1, s0;
	[sflag:s30] =	ssyncadd.s32 $0xFFFFE000  }
0x8e: {  	p0 =	sne.s32 s0, $0x4;
	_ =	swait.ge [sflag:s31], $0x2000  }
.Ltmp1:
0x8f: {  	[sflag:s31] =	ssyncset.done $0x0;
	(pc) =	sbr.rel @p0 .LBB2_2-.Ltmp1, $4  }
0x90: {  	[sflag:s31] =	ssyncadd.s32 $0xFFFFE000  }
0x91: {  	_ =	swait.ge [sflag:s14], $0x2000  }
0x92: {  	[sflag:s14] =	ssyncset.done $0x0  }
0x93: {  	[sflag:s14] =	ssyncadd.s32 $0xFFFFE000  }
0x94: {  	[bflag:$0x0] =	sbarrier.arrive $0xFFFF  }
0x95: {  	s2 =	simm.s32 $0x10;
	s0 =	rddreg [dreg:$0x5]  }
0x96: {  	[hbm:s0@s2], [sflag:s8] =	dma.strided [spmem:s17@s14], $0x1388, s13, $0x8   }
0x97: {  	_ =	swait.ge [sflag:s16], $0x1388  }
0x98: {  	s4 =	sadd.s32 $0x1, s4;
	s15 =	rddreg [dreg:$0x6]  }
0x99: {  	p0 =	sne.s32 s4, s15  }
.Ltmp2:
0x9a: {  	_ = 	snop;
	(pc) =	sbr.rel @p0 .LBB2_1-.Ltmp2, $3  }
0x9b: {  	_ =	sdelay $0x1  }
0x9c: {  	[sflag:s16] =	ssyncset.done $0x0  }
0x9d: {  	[sflag:s16] =	ssyncadd.s32 $0xFFFFEC78  }
0x9e: {  	_ =	sfence.sel $0x180000  }
0x9f: {  	[bflag:$0x0] =	sbarrier.arrive $0xFFFF  }
0xa0: {  	_ =	strace $0x9000004A  }
0xa1: {  	s0 =	stileid.u32;
	[bflag:$0x2] =	sbarrier.arrive $0xFFFF  }
0xa2: {  	p0 =	sne.s32 s0, $0x0;
	s0 =	rddreg [dreg:$0x4]  }
0xa3: {  	s0 =	sadd.s32 @!p0 $0x100000, s0  }
0xa4: {  	[sflag:s0] =	ssyncadd.tile.s32 @!p0 $0x1;
	_ =	shalt  }
.Lfunc_end2:
_tile_overlayer_lowered:
.L_overlay_start_2:
0xa5: {  	(tag) =	ssettag $0x2  }
0xa6: {  	s0 =	rddreg [dreg:$0x0];
	s2 =	stileid.u32  }
0xa7: {  	s1 =	rddreg [dreg:$0x1];
	p0 =	sne.s32 s2, $0x0  }
0xa8: {  	s3 =	rddreg [dreg:$0x2];
	[bflag:$0x3] =	sbarrier.arrive $0xFFFF;
	s2 =	simm.s32 @!p0 $0x1C09  }
0xa9: {  	[timem:s3], [sflag:s2] =	dma.local @!p0 [hbm:s0], s1  }
0xaa: {  	s0 =	simm.s32 @!p0 $0x9  }
0xab: {  	_ =	swait.ge @!p0 [sflag:s0], s1  }
0xac: {  	s1 =	ssub.s32 @!p0 $0x0, s1;
	[sflag:s0] =	ssyncset.done @!p0 $0x0  }
0xad: {  	[sflag:s0] =	ssyncadd.s32 @!p0 s1  }
0xae: {  	[bflag:$0x3] =	sbarrier.arrive $0xFFFF  }
0xaf: {  	_ =	shalt  }

// kernel: kernel.14.cloned.1.call-start
scs
__scs_entry_jumppad:
0x0: {  	(pc) =	sbr.rel $0x88, $3  }
0x1: {  	(tag) =	ssettag $0x0;
	lr =	simm.s32 $0x1  }
0x2: {  	[smem:$0x3F99] =	sst lr;
	_ =	strace $0xD0000000  }
0x3: {  	_ = 	snop  }
0x4: {  	_ = 	snop  }
0x5: {  	_ = 	snop  }
0x6: {  	_ = 	snop  }
0x7: {  	_ = 	snop  }
__scs_overlays_trampoline_lowered:
0x8: {  	[smem:$0x3FA8] =	sst s0  }
0x9: {  	[smem:$0x3FA9] =	sst s1  }
0xa: {  	[smem:$0x3FAA] =	sst s2  }
0xb: {  	[smem:$0x3FAB] =	sst s3  }
0xc: {  	[smem:$0x3FAC] =	sst s4  }
0xd: {  	[smem:$0x3FAD] =	sst s5  }
0xe: {  	[smem:$0x3FAE] =	sst s6  }
0xf: {  	[smem:$0x3FAF] =	sst s7  }
0x10: {  	[smem:$0x3FB0] =	sst s8  }
0x11: {  	[smem:$0x3FB1] =	sst s9;
	s0 =	simm.s32 @!p0 $0x0  }
0x12: {  	s1 =	sld [smem:$0x3F97];
	s0 =	simm.s32 @p0 $0x1  }
0x13: {  	[smem:$0x3FB2] =	sst s0;
	s0 =	simm.s32 @!p1 $0x0  }
0x14: {  	s2 =	sld [smem:$0x3F96];
	s0 =	simm.s32 @p1 $0x1  }
0x15: {  	[smem:$0x3FB3] =	sst s0;
	s0 =	simm.s32 @!p2 $0x0  }
0x16: {  	s3 =	sld [smem:$0x3FDB];
	s0 =	simm.s32 @p2 $0x1  }
0x17: {  	s4 =	simm.s32 $0x1BF5;
	[smem:$0x3FB5] =	sst s0  }
0x18: {  	s0 =	sld [smem:$0x3F98];
	_ =	swait.ge [sflag:s4], $0x0  }
0x19: {  	s7 =	sld [smem:$0x3F99]  }
0x1a: {  	s8 =	sadd.s32 $0xFFFFE003, lr  }
0x1b: {  	s9 =	sadd.s32 $0xFFFFFEF7, lr;
	s5 =	simm.s32 $0xFFFFFFFF;
	p2 =	slt.u32 s8, $0xFFFFF086  }
0x1c: {  	p1 =	slt.u32 s9, $0xF7A;
	s5 =	simm.s32 @!p2 $0x0  }
0x1d: {  	s5 =	simm.s32 @p1 $0x1;
	p0 =	seq.s32 s7, s2  }
0x1e: {  	s7 =	smul.u32 @!p0 $0xF7A, s2;
	p2 =	seq.s32 @!p0 s5, $0x0  }
0x1f: {  	s9 =	smul.u32 $0xF7A, s1;
	s8 =	simm.s32 @!p0 $0x1BF5;
	p2 =	por !p2, p0  }
0x20: {  	[sflag:s8] =	ssyncset.s32 @!p0 $0xFFFFF086;
	s6 =	sadd.s32 @!p0 s3, s7;
	s7 =	simm.s32 @!p0 $0x108  }
0x21: {  	s3 =	sadd.s32 s3, s9;
	s6 =	sadd.s32 @!p0 $0x88, s6;
	s7 =	simm.s32 @p2 $0x1082  }
0x22: {  	[simem:s7], [sflag:s8] =	dma.local @!p0 [hbm:s6], $0xF7A  }
0x23: {  	s9 =	sor.u32 $0xD0000000, s2;
	s6 =	simm.s32 $0x108;
	_ =	swait.ge @!p0 [sflag:s8], $0x0  }
0x24: {  	s3 =	sadd.s32 $0x88, s3;
	s6 =	simm.s32 @!p1 $0x1082;
	[sflag:s4] =	ssyncset.s32 $0xFFFFF086  }
0x25: {  	[simem:s6], [sflag:s4] =	dma.local [hbm:s3], $0xF7A  }
0x26: {  	[smem:$0x3F99] =	sst s1;
	(tag) =	ssettag s2;
	_ =	strace s9  }
0x27: {  	s1 =	sld [smem:$0x3FA9]  }
0x28: {  	s2 =	sld [smem:$0x3FAA]  }
0x29: {  	s4 =	sld [smem:$0x3FAC]  }
0x2a: {  	p0 =	seq.s32 s5, $0x0;
	s5 =	sld [smem:$0x3FAD]  }
0x2b: {  	s6 =	sld [smem:$0x3FAE]  }
0x2c: {  	s7 =	sld [smem:$0x3FAF]  }
0x2d: {  	s3 =	simm.s32 $0x108;
	s8 =	sld [smem:$0x3FB0]  }
0x2e: {  	s3 =	simm.s32 @!p0 $0x1082;
	s9 =	sld [smem:$0x3FB1]  }
0x2f: {  	lr =	sadd.s32 s0, s3;
	s0 =	sld [smem:$0x3FA8]  }
0x30: {  	s3 =	sld [smem:$0x3FAB]  }
0x31: {  	[smem:$0x3FB4] =	sst s10  }
0x32: {  	s10 =	sld [smem:$0x3FB2];
	_ =	sdelay $0x3  }
0x33: {  	p0 =	seq.s32 s10, $0x1;
	s10 =	sld [smem:$0x3FB4];
	_ =	sdelay $0x3  }
0x34: {  	[smem:$0x3FB4] =	sst s10  }
0x35: {  	s10 =	sld [smem:$0x3FB3];
	_ =	sdelay $0x3  }
0x36: {  	p1 =	seq.s32 s10, $0x1;
	s10 =	sld [smem:$0x3FB4];
	_ =	sdelay $0x3  }
0x37: {  	[smem:$0x3FB4] =	sst s10  }
0x38: {  	s10 =	sld [smem:$0x3FB5]  }
0x39: {  	_ = 	snop;
	(pc) =	sbr.ind lr, $3  }
0x3a: {  	_ = 	snop  }
0x3b: {  	_ = 	snop  }
0x3c: {  	p2 =	seq.s32 s10, $0x1;
	s10 =	sld [smem:$0x3FB4]  }
0x3d: {  	_ =	shalt  }
0x3e: {  	_ =	shalt  }
0x3f: {  	_ =	shalt  }
0x40: {  	_ =	shalt  }
0x41: {  	_ =	shalt  }
0x42: {  	_ =	shalt  }
0x43: {  	_ =	shalt  }
0x44: {  	_ =	shalt  }
0x45: {  	_ =	shalt  }
0x46: {  	_ =	shalt  }
0x47: {  	_ =	shalt  }
0x48: {  	_ =	shalt  }
0x49: {  	_ =	shalt  }
0x4a: {  	_ =	shalt  }
0x4b: {  	_ =	shalt  }
0x4c: {  	_ =	shalt  }
0x4d: {  	_ =	shalt  }
0x4e: {  	_ =	shalt  }
0x4f: {  	_ =	shalt  }
0x50: {  	_ =	shalt  }
0x51: {  	_ =	shalt  }
0x52: {  	_ =	shalt  }
0x53: {  	_ =	shalt  }
0x54: {  	_ =	shalt  }
0x55: {  	_ =	shalt  }
0x56: {  	_ =	shalt  }
0x57: {  	_ =	shalt  }
0x58: {  	_ =	shalt  }
0x59: {  	_ =	shalt  }
0x5a: {  	_ =	shalt  }
0x5b: {  	_ =	shalt  }
0x5c: {  	_ =	shalt  }
0x5d: {  	_ =	shalt  }
0x5e: {  	_ =	shalt  }
0x5f: {  	_ =	shalt  }
0x60: {  	_ =	shalt  }
0x61: {  	_ =	shalt  }
0x62: {  	_ =	shalt  }
0x63: {  	_ =	shalt  }
0x64: {  	_ =	shalt  }
0x65: {  	_ =	shalt  }
0x66: {  	_ =	shalt  }
0x67: {  	_ =	shalt  }
0x68: {  	_ =	shalt  }
0x69: {  	_ =	shalt  }
0x6a: {  	_ =	shalt  }
0x6b: {  	_ =	shalt  }
0x6c: {  	_ =	shalt  }
0x6d: {  	_ =	shalt  }
0x6e: {  	_ =	shalt  }
0x6f: {  	_ =	shalt  }
0x70: {  	_ =	shalt  }
0x71: {  	_ =	shalt  }
0x72: {  	_ =	shalt  }
0x73: {  	_ =	shalt  }
0x74: {  	_ =	shalt  }
0x75: {  	_ =	shalt  }
0x76: {  	_ =	shalt  }
0x77: {  	_ =	shalt  }
0x78: {  	_ =	shalt  }
0x79: {  	_ =	shalt  }
0x7a: {  	_ =	shalt  }
0x7b: {  	_ =	shalt  }
0x7c: {  	_ =	shalt  }
0x7d: {  	_ =	shalt  }
0x7e: {  	_ =	shalt  }
0x7f: {  	_ =	shalt  }
0x80: {  	_ =	shalt  }
0x81: {  	_ =	shalt  }
0x82: {  	_ =	shalt  }
0x83: {  	_ =	shalt  }
0x84: {  	_ =	shalt  }
0x85: {  	_ =	shalt  }
0x86: {  	_ =	shalt  }
0x87: {  	_ =	shalt  }
.Lfunc_end0:
.L_simem_size_0:
called_computation.2_lowered:
.L_overlay_start_0:
0x88: {  	s2 =	sld [smem:$0x3FD9]  }
0x89: {  	s3 =	sld [smem:$0x3FFE];
	_ =	sdelay $0x1  }
0x8a: {  	s1 =	srdreg.scid  }
0x8b: {  	s0 =	sand.u32 $0x1, s1  }
0x8c: {  	s17 =	sshll.u32 s0, $0xA;
	s2 =	sadd.s32 s3, s2  }
0x8d: {  	s2 =	sadd.s32 s2, s17  }
0x8e: {  	[smem:$0x3FC0] =	sst s2  }
0x8f: {  	_ = 	snop  }
0x90: {  	s2 =	sld [smem:$0x3FD0];
	(tm) =	ssettm $0x1  }
0x91: {  	s18 =	sld [smem:$0x3FFB];
	_ =	sdelay $0x3  }
0x92: {  	_ =	strace s18  }
0x93: {  	s3 =	sld [smem:$0x3FFC];
	_ =	sdelay $0x3  }
0x94: {  	_ =	strace s3  }
0x95: {  	s3 =	sld [smem:$0x3FFD];
	_ =	sdelay $0x3  }
0x96: {  	_ =	strace s3  }
0x97: {  	_ =	strace $0x8FFFFFFF  }
0x98: {  	s19 =	sld [smem:$0x3FDB];
	_ =	sdelay $0x1  }
0x99: {  	s4 =	simm.s32 $_scs_section_size  }
0x9a: {  	s5 =	simm.s32 $_size__tile_overlayer_lowered;
	s6 =	simm.s32 $_tile_overlayer_lowered  }
0x9b: {  	s22 =	simm.s32 $0x1BFF;
	s21 =	sshll.u32 s6, $0x1;
	s3 =	sadd.s32 s4, s19  }
0x9c: {  	s7 =	simm.s32 $0x0;
	s20 =	sshll.u32 s5, $0x1;
	s5 =	sadd.s32 s21, s3  }
0x9d: {  	[timem:s7], [sflag:s22] =	dma.local [hbm:s5], s20  }
0x9e: {  	_ =	swait.ge [sflag:s22], s20  }
0x9f: {  	s4 =	ssub.s32 $0x0, s20;
	[sflag:s22] =	ssyncset.done $0x0  }
0xa0: {  	[sflag:s22] =	ssyncadd.s32 s4;
	_ =	sdelay $0x1  }
0xa1: {  	s23 =	simm.s32 $0x1B8B  }
0xa2: {  	_ =	swait.ge [sflag:s23], $0x1  }
0xa3: {  	[sflag:s23] =	ssyncset.done $0x0  }
0xa4: {  	s25 =	simm.s32 $0x1B8E;
	s24 =	sld [smem:$0x3FFE];
	[sflag:s23] =	ssyncadd.s32 $0xFFFFFFFF  }
0xa5: {  	s26 =	simm.s32 $execute0_lowered;
	[smem:$0x3FD2] =	sst s25  }
0xa6: {  	s5 =	sshll.u32 s26, $0x1;
	_ =	strace $0x8000004C;
	[dreg:$0x1] =	wrdreg $0xFFFFFFFF  }
0xa7: {  	s28 =	simm.s32 $_size_execute0_lowered;
	s3 =	sadd.s32 s3, s5;
	[dreg:$0x0] =	wrdreg $0x0  }
0xa8: {  	s5 =	sshll.u32 s28, $0x1;
	[dreg:$0x2] =	wrdreg s3  }
0xa9: {  	[dreg:$0x3] =	wrdreg s5  }
0xaa: {  	[dreg:$0x4] =	wrdreg $0xC0  }
0xab: {  	_ =	task [dreg:s7], $0x5FFFF  }
0xac: {  	[dreg:$0x1] =	wrdreg $0xFFFFFFFF  }
0xad: {  	[dreg:$0x0] =	wrdreg $0x60  }
0xae: {  	[dreg:$0x2] =	wrdreg s2  }
0xaf: {  	[dreg:$0x3] =	wrdreg s24  }
0xb0: {  	[dreg:$0x4] =	wrdreg $0x0  }
0xb1: {  	[dreg:$0x5] =	wrdreg $0x9C400  }
0xb2: {  	[dreg:$0x6] =	wrdreg $0x9  }
0xb3: {  	_ =	task.clear_ibuf [dreg:s7], $0x7FFFF;
	_ =	strace $0x9000004C  }
0xb4: {  	s29 =	simm.s32 $0x9;
	_ =	strace $0x8000004E  }
0xb5: {  	_ =	swait.ge [sflag:s29], $0x1  }
0xb6: {  	[sflag:s29] =	ssyncadd.s32 $0xFFFFFFFF  }
0xb7: {  	_ =	strace $0x9000004E  }
0xb8: {  	_ =	sfence  }
0xb9: {  	s30 =	sld [smem:$0x0];
	_ =	sdelay $0x2  }
0xba: {  	s31 =	sshll.u32 s1, $0xD;
	s1 =	sshrl.u32 s1, $0x2  }
0xbb: {  	s3 =	sand.u32 $0x4000, s31;
	s1 =	sadd.s32 s1, s30  }
0xbc: {  	s0 =	sor.u32 s3, s0;
	s1 =	sshll.u32 s1, $0x11  }
0xbd: {  	s0 =	sor.u32 s1, s0  }
0xbe: {  	s0 =	sadd.s32 $0x8F2B, s0  }
0xbf: {  	[sflag:s0] =	ssyncadd.remote.s32 $0x1  }
0xc0: {  	_ =	sfence.sel $0xFFFF  }
0xc1: {  	[dreg:$0x0] =	wrdreg $0xFFFFFFFF;
	(pc) =	sbr.abs _section_cstart, $3  }
0xc2: {  	[dreg:$0x1] =	wrdreg $0xFFFFFFFF  }
0xc3: {  	_ =	task.clear_ibuf [dreg:s7], $0x2FFFF;
	_ =	strace $0x9FFFFFFF  }
0xc4: {  	(tm) =	ssettm $0x7FFFFFFF  }
0xc5: {  	_ =	shalt  }
tec
execute0_lowered:
.L_overlay_start_1:
0x0: {  	(tag) =	ssettag $0x1  }
0x1: {  	s0 =	rddreg [dreg:$0x0]  }
0x2: {  	s2 =	rddreg [dreg:$0x1]  }
0x3: {  	s1 =	rddreg [dreg:$0x2]  }
0x4: {  	s3 =	rddreg [dreg:$0x3];
	s4 =	simm.s32 $0x0;
	s5 =	srdreg.scid  }
0x5: {  	s13 =	stileid.u32;
	s14 =	simm.s32 $0x8;
	s16 =	simm.s32 $0x9  }
0x6: {  	s18 =	simm.s32 $0x138A0;
	s19 =	simm.s32 $0x14CA0;
	s20 =	simm.s32 $0x80  }
0x7: {  	s21 =	simm.s32 $0x160A0;
	s28 =	simm.s32 $0x4;
	s29 =	simm.s32 $0x5  }
0x8: {  	s30 =	simm.s32 $0x6;
	s31 =	simm.s32 $0x7;
	[smem:$0x7FF] =	sst s4  }
0x9: {  	s6 =	sand.u32 $0x1, s5;
	s7 =	smul.u32 $0x13880, s13;
	s5 =	sadd.s32 $0xBA00, s2  }
0xa: {  	s10 =	smul.u32 $0x9C40, s13;
	s23 =	sshll.u32 s13, $0x6;
	_ =	strace $0x8000004D  }
0xb: {  	s8 =	sshll.u32 s6, $0x6;
	s22 =	ssub.s32 $0x2, s6;
	s6 =	sadd.s32 $0x1A00, s2  }
0xc: {  	s7 =	sor.u32 s8, s7;
	s9 =	sshrl.u32 s22, $0x1;
	s12 =	sadd.s32 s10, s1  }
0xd: {  	s8 =	sor.u32 $0x1C09, s23;
	s24 =	sadd.s32 s10, s3;
	s23 =	simm.s32 $0x1A0A0  }
0xe: {  	s7 =	sshrl.u32 s7, $0x3;
	s11 =	ssub.s32 s22, s9;
	s9 =	smul.u32 $0xA0, s13  }
0xf: {  	s26 =	sshrl.u32 s12, $0x3;
	s13 =	simm.s32 $0x1;
	s17 =	sshrl.u32 s24, $0x3  }
0x10: {  	s22 =	simm.s32 $0x180A0;
	s24 =	simm.s32 $0x1C0A0;
	s2 =	sadd.s32 s7, s2  }
0x11: {  	s7 =	sadd.s32 s0, s7;
	s25 =	smax.u32 s11, $0x1;
	[dreg:$0x7] =	wrdreg s26  }
0x12: {  	s26 =	simm.s32 $0x3;
	s2 =	sadd.s32 $0x15A00, s2;
	[dreg:$0x6] =	wrdreg s25  }
0x13: {  	s25 =	simm.s32 $0x2;
	[dreg:$0x5] =	wrdreg s2;
	s2 =	simm.s32 $0x10  }
.LBB2_1:
0x14: {  	s0 =	rddreg [dreg:$0x7]  }
0x15: {  	[spmem:s0@s14], [sflag:s8] =	dma.strided [hbm:s7@s2], $0x1388, s13, $0x8   }
0x16: {  	_ =	swait.ge [sflag:s16], $0x1388  }
0x17: {  	[sflag:s16] =	ssyncset.done $0x0  }
0x18: {  	[sflag:s16] =	ssyncadd.s32 $0xFFFFEC78  }
0x19: {  	[spmem:s17@s14], [sflag:s8] =	dma.strided [hbm:s7@s2], $0x1388, s13, $0x8   }
0x1a: {  	_ =	swait.ge [sflag:s16], $0x1388  }
0x1b: {  	[sflag:s16] =	ssyncset.done $0x0  }
0x1c: {  	[sflag:s16] =	ssyncadd.s32 $0xFFFFEC78  }
0x1d: {  	s0 =	simm.s32 $0x0;
	[bflag:$0x0] =	sbarrier.arrive $0xFFFF  }
.LBB2_2:
0x1e: {  	s2 =	smul.u32 $0x28, s0;
	_ =	sdelay $0x1  }
0x1f: {  	s2 =	sadd.s32 s9, s2  }
0x20: {  	s2 =	sshll.u32 s2, $0x4  }
0x21: {  	s11 =	simm.s32 $0x0;
	s10 =	sadd.s32 s5, s2  }
0x22: {  	[tilespmem:s18], [sflag:$0x9] =	stream.linear.gather [hbm4b:s10+s11], $0x1400, $0x38;
	[tilespmem:$0x1E0A0] =	vst v63  }
0x23: {  	_ =	swait.ge [sflag:s16], $0x1400  }
0x24: {  	[sflag:s16] =	ssyncset.done $0x0  }
0x25: {  	s2 =	sadd.s32 s6, s2;
	[sflag:s16] =	ssyncadd.s32 $0xFFFFEC00  }
0x26: {  	[tilespmem:s19], [sflag:$0x9] =	stream.linear.gather [hbm4b:s2+s11], $0x1400, $0x38;
	[tilespmem:$0x1E0A0] =	vst v63  }
0x27: {  	_ =	swait.ge [sflag:s16], $0x1400  }
0x28: {  	[sflag:s16] =	ssyncset.done $0x0  }
0x29: {  	s10 =	simm.s32 $0x138A0;
	[sflag:s16] =	ssyncadd.s32 $0xFFFFEC00  }
0x2a: {  	[tilespmem:s21], [sflag:$0x1] =	stream.indirect.gather [spmem:s1], $0x40, s10, s20, $0xb8;
	[tilespmem:$0x1E0A0] =	vst v63  }
0x2b: {  	s11 =	simm.s32 $0x13920  }
0x2c: {  	[tilespmem:s22], [sflag:$0x2] =	stream.indirect.gather [spmem:s1], $0x40, s11, s20, $0xb8;
	[tilespmem:$0x1E0A0] =	vst v63  }
0x2d: {  	s12 =	simm.s32 $0x139A0  }
0x2e: {  	[tilespmem:s23], [sflag:$0x3] =	stream.indirect.gather [spmem:s1], $0x40, s12, s20, $0xb8;
	[tilespmem:$0x1E0A0] =	vst v63  }
0x2f: {  	s15 =	simm.s32 $0x13A20  }
0x30: {  	[tilespmem:s24], [sflag:$0x4] =	stream.indirect.gather [spmem:s1], $0x40, s15, s20, $0xb8;
	[tilespmem:$0x1E0A0] =	vst v63  }
0x31: {  	_ =	swait.ge [sflag:s13], $0x2000  }
0x32: {  	[sflag:s13] =	ssyncset.done $0x0  }
0x33: {  	s10 =	simm.s32 $0x14CA0;
	[sflag:s13] =	ssyncadd.s32 $0xFFFFE000  }
0x34: {  	[spmem:s3] =	stream.indirect.scatter.add.f32 [tilespmem:s21], [sflag:$0x5], $0x40, s10, s20, $0xb8;
	[tilespmem:$0x1E0A0] =	vst v63  }
0x35: {  	_ =	swait.ge [sflag:s25], $0x2000  }
0x36: {  	[sflag:s25] =	ssyncset.done $0x0  }
0x37: {  	s11 =	simm.s32 $0x14D20;
	[sflag:s25] =	ssyncadd.s32 $0xFFFFE000  }
0x38: {  	[spmem:s3] =	stream.indirect.scatter.add.f32 [tilespmem:s22], [sflag:$0x6], $0x40, s11, s20, $0xb8;
	[tilespmem:$0x1E0A0] =	vst v63  }
0x39: {  	_ =	swait.ge [sflag:s26], $0x2000  }
0x3a: {  	[sflag:s26] =	ssyncset.done $0x0  }
0x3b: {  	s12 =	simm.s32 $0x14DA0;
	[sflag:s26] =	ssyncadd.s32 $0xFFFFE000  }
0x3c: {  	[spmem:s3] =	stream.indirect.scatter.add.f32 [tilespmem:s23], [sflag:$0x7], $0x40, s12, s20, $0xb8;
	[tilespmem:$0x1E0A0] =	vst v63  }
0x3d: {  	_ =	swait.ge [sflag:s28], $0x2000  }
0x3e: {  	[sflag:s28] =	ssyncset.done $0x0  }
0x3f: {  	s15 =	simm.s32 $0x14E20;
	[sflag:s28] =	ssyncadd.s32 $0xFFFFE000  }
0x40: {  	[spmem:s3] =	stream.indirect.scatter.add.f32 [tilespmem:s24], [sflag:$0x8], $0x40, s15, s20, $0xb8;
	[tilespmem:$0x1E0A0] =	vst v63  }
0x41: {  	_ =	swait.ge [sflag:s29], $0x2000  }
0x42: {  	[sflag:s29] =	ssyncset.done $0x0  }
0x43: {  	[sflag:s29] =	ssyncadd.s32 $0xFFFFE000  }
0x44: {  	_ =	swait.ge [sflag:s30], $0x2000  }
0x45: {  	[sflag:s30] =	ssyncset.done $0x0  }
0x46: {  	[sflag:s30] =	ssyncadd.s32 $0xFFFFE000  }
0x47: {  	_ =	swait.ge [sflag:s31], $0x2000  }
0x48: {  	[sflag:s31] =	ssyncset.done $0x0  }
0x49: {  	[sflag:s31] =	ssyncadd.s32 $0xFFFFE000  }
0x4a: {  	_ =	swait.ge [sflag:s14], $0x2000  }
0x4b: {  	s2 =	simm.s32 $0x200;
	s10 =	simm.s32 $0x1000;
	[sflag:s14] =	ssyncset.done $0x0  }
.LBB2_3:
0x4c: {  	s15 =	sadd.s32 $0x138A0, s2  }
0x4d: {  	[sflag:s14] =	ssyncadd.s32 $0xFFFFE000;
	s11 =	smov.u32 s10;
	s12 =	sadd.s32 $0x800, s10  }
0x4e: {  	[tilespmem:s21], [sflag:$0x1] =	stream.indirect.gather [spmem:s1], $0x40, s15, s20, $0xb8;
	[tilespmem:$0x1E0A0] =	vst v63  }
0x4f: {  	p0 =	sne.s32 s10, $0x4800;
	s10 =	sadd.s32 $0x13920, s2  }
0x50: {  	[tilespmem:s22], [sflag:$0x2] =	stream.indirect.gather [spmem:s1], $0x40, s10, s20, $0xb8;
	[tilespmem:$0x1E0A0] =	vst v63  }
0x51: {  	s10 =	sadd.s32 $0x139A0, s2  }
0x52: {  	[tilespmem:s23], [sflag:$0x3] =	stream.indirect.gather [spmem:s1], $0x40, s10, s20, $0xb8;
	[tilespmem:$0x1E0A0] =	vst v63  }
0x53: {  	s10 =	sadd.s32 $0x13A20, s2  }
0x54: {  	[tilespmem:s24], [sflag:$0x4] =	stream.indirect.gather [spmem:s1], $0x40, s10, s20, $0xb8;
	[tilespmem:$0x1E0A0] =	vst v63  }
0x55: {  	_ =	swait.ge [sflag:s13], $0x2000  }
0x56: {  	[sflag:s13] =	ssyncset.done $0x0  }
0x57: {  	s10 =	sadd.s32 $0x14CA0, s2;
	[sflag:s13] =	ssyncadd.s32 $0xFFFFE000  }
0x58: {  	[spmem:s3] =	stream.indirect.scatter.add.f32 [tilespmem:s21], [sflag:$0x5], $0x40, s10, s20, $0xb8;
	[tilespmem:$0x1E0A0] =	vst v63  }
0x59: {  	_ =	swait.ge [sflag:s25], $0x2000  }
0x5a: {  	[sflag:s25] =	ssyncset.done $0x0  }
0x5b: {  	s10 =	sadd.s32 $0x14D20, s2;
	[sflag:s25] =	ssyncadd.s32 $0xFFFFE000  }
0x5c: {  	[spmem:s3] =	stream.indirect.scatter.add.f32 [tilespmem:s22], [sflag:$0x6], $0x40, s10, s20, $0xb8;
	[tilespmem:$0x1E0A0] =	vst v63  }
0x5d: {  	_ =	swait.ge [sflag:s26], $0x2000  }
0x5e: {  	[sflag:s26] =	ssyncset.done $0x0  }
0x5f: {  	s10 =	sadd.s32 $0x14DA0, s2;
	[sflag:s26] =	ssyncadd.s32 $0xFFFFE000  }
0x60: {  	[spmem:s3] =	stream.indirect.scatter.add.f32 [tilespmem:s23], [sflag:$0x7], $0x40, s10, s20, $0xb8;
	[tilespmem:$0x1E0A0] =	vst v63  }
0x61: {  	_ =	swait.ge [sflag:s28], $0x2000  }
0x62: {  	[sflag:s28] =	ssyncset.done $0x0  }
0x63: {  	s2 =	sadd.s32 $0x14E20, s2;
	[sflag:s28] =	ssyncadd.s32 $0xFFFFE000  }
0x64: {  	[spmem:s3] =	stream.indirect.scatter.add.f32 [tilespmem:s24], [sflag:$0x8], $0x40, s2, s20, $0xb8;
	[tilespmem:$0x1E0A0] =	vst v63  }
0x65: {  	_ =	swait.ge [sflag:s29], $0x2000  }
0x66: {  	[sflag:s29] =	ssyncset.done $0x0  }
0x67: {  	[sflag:s29] =	ssyncadd.s32 $0xFFFFE000  }
0x68: {  	_ =	swait.ge [sflag:s30], $0x2000  }
0x69: {  	[sflag:s30] =	ssyncset.done $0x0  }
0x6a: {  	[sflag:s30] =	ssyncadd.s32 $0xFFFFE000  }
.Ltmp0:
0x6b: {  	_ =	swait.ge [sflag:s31], $0x2000;
	(pc) =	sbr.rel @p0 .LBB2_3-.Ltmp0, $4  }
0x6c: {  	[sflag:s31] =	ssyncset.done $0x0  }
0x6d: {  	[sflag:s31] =	ssyncadd.s32 $0xFFFFE000  }
0x6e: {  	_ =	swait.ge [sflag:s14], $0x2000  }
0x6f: {  	s10 =	smov.u32 s12;
	s2 =	sshra.s32 s11, $0x2;
	[sflag:s14] =	ssyncset.done $0x0  }
0x70: {  	s10 =	sadd.s32 $0x138A0, s2;
	[sflag:s14] =	ssyncadd.s32 $0xFFFFE000  }
0x71: {  	[tilespmem:s21], [sflag:$0x1] =	stream.indirect.gather [spmem:s1], $0x40, s10, s20, $0xb8;
	[tilespmem:$0x1E0A0] =	vst v63  }
0x72: {  	s15 =	sadd.s32 $0x13920, s2  }
0x73: {  	[tilespmem:s22], [sflag:$0x2] =	stream.indirect.gather [spmem:s1], $0x40, s15, s20, $0xb8;
	[tilespmem:$0x1E0A0] =	vst v63  }
0x74: {  	s11 =	sadd.s32 $0x139A0, s2  }
0x75: {  	[tilespmem:s23], [sflag:$0x3] =	stream.indirect.gather [spmem:s1], $0x40, s11, s20, $0xb8;
	[tilespmem:$0x1E0A0] =	vst v63  }
0x76: {  	s12 =	sadd.s32 $0x13A20, s2  }
0x77: {  	[tilespmem:s24], [sflag:$0x4] =	stream.indirect.gather [spmem:s1], $0x40, s12, s20, $0xb8;
	[tilespmem:$0x1E0A0] =	vst v63  }
0x78: {  	_ =	swait.ge [sflag:s13], $0x2000  }
0x79: {  	[sflag:s13] =	ssyncset.done $0x0  }
0x7a: {  	s15 =	sadd.s32 $0x14CA0, s2;
	[sflag:s13] =	ssyncadd.s32 $0xFFFFE000  }
0x7b: {  	[spmem:s3] =	stream.indirect.scatter.add.f32 [tilespmem:s21], [sflag:$0x5], $0x40, s15, s20, $0xb8;
	[tilespmem:$0x1E0A0] =	vst v63  }
0x7c: {  	_ =	swait.ge [sflag:s25], $0x2000  }
0x7d: {  	[sflag:s25] =	ssyncset.done $0x0  }
0x7e: {  	s11 =	sadd.s32 $0x14D20, s2;
	[sflag:s25] =	ssyncadd.s32 $0xFFFFE000  }
0x7f: {  	[spmem:s3] =	stream.indirect.scatter.add.f32 [tilespmem:s22], [sflag:$0x6], $0x40, s11, s20, $0xb8;
	[tilespmem:$0x1E0A0] =	vst v63  }
0x80: {  	_ =	swait.ge [sflag:s26], $0x2000  }
0x81: {  	[sflag:s26] =	ssyncset.done $0x0  }
0x82: {  	s12 =	sadd.s32 $0x14DA0, s2;
	[sflag:s26] =	ssyncadd.s32 $0xFFFFE000  }
0x83: {  	[spmem:s3] =	stream.indirect.scatter.add.f32 [tilespmem:s23], [sflag:$0x7], $0x40, s12, s20, $0xb8;
	[tilespmem:$0x1E0A0] =	vst v63  }
0x84: {  	_ =	swait.ge [sflag:s28], $0x2000  }
0x85: {  	[sflag:s28] =	ssyncset.done $0x0  }
0x86: {  	s15 =	sadd.s32 $0x14E20, s2;
	[sflag:s28] =	ssyncadd.s32 $0xFFFFE000  }
0x87: {  	[spmem:s3] =	stream.indirect.scatter.add.f32 [tilespmem:s24], [sflag:$0x8], $0x40, s15, s20, $0xb8;
	[tilespmem:$0x1E0A0] =	vst v63  }
0x88: {  	_ =	swait.ge [sflag:s29], $0x2000  }
0x89: {  	[sflag:s29] =	ssyncset.done $0x0  }
0x8a: {  	[sflag:s29] =	ssyncadd.s32 $0xFFFFE000  }
0x8b: {  	_ =	swait.ge [sflag:s30], $0x2000  }
0x8c: {  	[sflag:s30] =	ssyncset.done $0x0  }
0x8d: {  	s0 =	sadd.s32 $0x1, s0;
	[sflag:s30] =	ssyncadd.s32 $0xFFFFE000  }
0x8e: {  	p0 =	sne.s32 s0, $0x4;
	_ =	swait.ge [sflag:s31], $0x2000  }
.Ltmp1:
0x8f: {  	[sflag:s31] =	ssyncset.done $0x0;
	(pc) =	sbr.rel @p0 .LBB2_2-.Ltmp1, $4  }
0x90: {  	[sflag:s31] =	ssyncadd.s32 $0xFFFFE000  }
0x91: {  	_ =	swait.ge [sflag:s14], $0x2000  }
0x92: {  	[sflag:s14] =	ssyncset.done $0x0  }
0x93: {  	[sflag:s14] =	ssyncadd.s32 $0xFFFFE000  }
0x94: {  	[bflag:$0x0] =	sbarrier.arrive $0xFFFF  }
0x95: {  	s2 =	simm.s32 $0x10;
	s0 =	rddreg [dreg:$0x5]  }
0x96: {  	[hbm:s0@s2], [sflag:s8] =	dma.strided [spmem:s17@s14], $0x1388, s13, $0x8   }
0x97: {  	_ =	swait.ge [sflag:s16], $0x1388  }
0x98: {  	s4 =	sadd.s32 $0x1, s4;
	s15 =	rddreg [dreg:$0x6]  }
0x99: {  	p0 =	sne.s32 s4, s15  }
.Ltmp2:
0x9a: {  	_ = 	snop;
	(pc) =	sbr.rel @p0 .LBB2_1-.Ltmp2, $3  }
0x9b: {  	_ =	sdelay $0x1  }
0x9c: {  	[sflag:s16] =	ssyncset.done $0x0  }
0x9d: {  	[sflag:s16] =	ssyncadd.s32 $0xFFFFEC78  }
0x9e: {  	_ =	sfence.sel $0x180000  }
0x9f: {  	[bflag:$0x0] =	sbarrier.arrive $0xFFFF  }
0xa0: {  	_ =	strace $0x9000004D  }
0xa1: {  	s0 =	stileid.u32;
	[bflag:$0x2] =	sbarrier.arrive $0xFFFF  }
0xa2: {  	p0 =	sne.s32 s0, $0x0;
	s0 =	rddreg [dreg:$0x4]  }
0xa3: {  	s0 =	sadd.s32 @!p0 $0x100000, s0  }
0xa4: {  	[sflag:s0] =	ssyncadd.tile.s32 @!p0 $0x1;
	_ =	shalt  }
.Lfunc_end2:
_tile_overlayer_lowered:
.L_overlay_start_2:
0xa5: {  	(tag) =	ssettag $0x2  }
0xa6: {  	s0 =	rddreg [dreg:$0x0];
	s2 =	stileid.u32  }
0xa7: {  	s1 =	rddreg [dreg:$0x1];
	p0 =	sne.s32 s2, $0x0  }
0xa8: {  	s3 =	rddreg [dreg:$0x2];
	[bflag:$0x3] =	sbarrier.arrive $0xFFFF;
	s2 =	simm.s32 @!p0 $0x1C09  }
0xa9: {  	[timem:s3], [sflag:s2] =	dma.local @!p0 [hbm:s0], s1  }
0xaa: {  	s0 =	simm.s32 @!p0 $0x9  }
0xab: {  	_ =	swait.ge @!p0 [sflag:s0], s1  }
0xac: {  	s1 =	ssub.s32 @!p0 $0x0, s1;
	[sflag:s0] =	ssyncset.done @!p0 $0x0  }
0xad: {  	[sflag:s0] =	ssyncadd.s32 @!p0 s1  }
0xae: {  	[bflag:$0x3] =	sbarrier.arrive $0xFFFF  }
0xaf: {  	_ =	shalt  }

// kernel: kernel.8.cloned.1.call-start
scs
__scs_entry_jumppad:
0x0: {  	(pc) =	sbr.rel $0x88, $3  }
0x1: {  	(tag) =	ssettag $0x0;
	lr =	simm.s32 $0x1  }
0x2: {  	[smem:$0x3F99] =	sst lr;
	_ =	strace $0xD0000000  }
0x3: {  	_ = 	snop  }
0x4: {  	_ = 	snop  }
0x5: {  	_ = 	snop  }
0x6: {  	_ = 	snop  }
0x7: {  	_ = 	snop  }
__scs_overlays_trampoline_lowered:
0x8: {  	[smem:$0x3FA8] =	sst s0  }
0x9: {  	[smem:$0x3FA9] =	sst s1  }
0xa: {  	[smem:$0x3FAA] =	sst s2  }
0xb: {  	[smem:$0x3FAB] =	sst s3  }
0xc: {  	[smem:$0x3FAC] =	sst s4  }
0xd: {  	[smem:$0x3FAD] =	sst s5  }
0xe: {  	[smem:$0x3FAE] =	sst s6  }
0xf: {  	[smem:$0x3FAF] =	sst s7  }
0x10: {  	[smem:$0x3FB0] =	sst s8  }
0x11: {  	[smem:$0x3FB1] =	sst s9;
	s0 =	simm.s32 @!p0 $0x0  }
0x12: {  	s1 =	sld [smem:$0x3F97];
	s0 =	simm.s32 @p0 $0x1  }
0x13: {  	[smem:$0x3FB2] =	sst s0;
	s0 =	simm.s32 @!p1 $0x0  }
0x14: {  	s2 =	sld [smem:$0x3F96];
	s0 =	simm.s32 @p1 $0x1  }
0x15: {  	[smem:$0x3FB3] =	sst s0;
	s0 =	simm.s32 @!p2 $0x0  }
0x16: {  	s3 =	sld [smem:$0x3FDB];
	s0 =	simm.s32 @p2 $0x1  }
0x17: {  	s4 =	simm.s32 $0x1BF5;
	[smem:$0x3FB5] =	sst s0  }
0x18: {  	s0 =	sld [smem:$0x3F98];
	_ =	swait.ge [sflag:s4], $0x0  }
0x19: {  	s7 =	sld [smem:$0x3F99]  }
0x1a: {  	s8 =	sadd.s32 $0xFFFFE003, lr  }
0x1b: {  	s9 =	sadd.s32 $0xFFFFFEF7, lr;
	s5 =	simm.s32 $0xFFFFFFFF;
	p2 =	slt.u32 s8, $0xFFFFF086  }
0x1c: {  	p1 =	slt.u32 s9, $0xF7A;
	s5 =	simm.s32 @!p2 $0x0  }
0x1d: {  	s5 =	simm.s32 @p1 $0x1;
	p0 =	seq.s32 s7, s2  }
0x1e: {  	s7 =	smul.u32 @!p0 $0xF7A, s2;
	p2 =	seq.s32 @!p0 s5, $0x0  }
0x1f: {  	s9 =	smul.u32 $0xF7A, s1;
	s8 =	simm.s32 @!p0 $0x1BF5;
	p2 =	por !p2, p0  }
0x20: {  	[sflag:s8] =	ssyncset.s32 @!p0 $0xFFFFF086;
	s6 =	sadd.s32 @!p0 s3, s7;
	s7 =	simm.s32 @!p0 $0x108  }
0x21: {  	s3 =	sadd.s32 s3, s9;
	s6 =	sadd.s32 @!p0 $0x88, s6;
	s7 =	simm.s32 @p2 $0x1082  }
0x22: {  	[simem:s7], [sflag:s8] =	dma.local @!p0 [hbm:s6], $0xF7A  }
0x23: {  	s9 =	sor.u32 $0xD0000000, s2;
	s6 =	simm.s32 $0x108;
	_ =	swait.ge @!p0 [sflag:s8], $0x0  }
0x24: {  	s3 =	sadd.s32 $0x88, s3;
	s6 =	simm.s32 @!p1 $0x1082;
	[sflag:s4] =	ssyncset.s32 $0xFFFFF086  }
0x25: {  	[simem:s6], [sflag:s4] =	dma.local [hbm:s3], $0xF7A  }
0x26: {  	[smem:$0x3F99] =	sst s1;
	(tag) =	ssettag s2;
	_ =	strace s9  }
0x27: {  	s1 =	sld [smem:$0x3FA9]  }
0x28: {  	s2 =	sld [smem:$0x3FAA]  }
0x29: {  	s4 =	sld [smem:$0x3FAC]  }
0x2a: {  	p0 =	seq.s32 s5, $0x0;
	s5 =	sld [smem:$0x3FAD]  }
0x2b: {  	s6 =	sld [smem:$0x3FAE]  }
0x2c: {  	s7 =	sld [smem:$0x3FAF]  }
0x2d: {  	s3 =	simm.s32 $0x108;
	s8 =	sld [smem:$0x3FB0]  }
0x2e: {  	s3 =	simm.s32 @!p0 $0x1082;
	s9 =	sld [smem:$0x3FB1]  }
0x2f: {  	lr =	sadd.s32 s0, s3;
	s0 =	sld [smem:$0x3FA8]  }
0x30: {  	s3 =	sld [smem:$0x3FAB]  }
0x31: {  	[smem:$0x3FB4] =	sst s10  }
0x32: {  	s10 =	sld [smem:$0x3FB2];
	_ =	sdelay $0x3  }
0x33: {  	p0 =	seq.s32 s10, $0x1;
	s10 =	sld [smem:$0x3FB4];
	_ =	sdelay $0x3  }
0x34: {  	[smem:$0x3FB4] =	sst s10  }
0x35: {  	s10 =	sld [smem:$0x3FB3];
	_ =	sdelay $0x3  }
0x36: {  	p1 =	seq.s32 s10, $0x1;
	s10 =	sld [smem:$0x3FB4];
	_ =	sdelay $0x3  }
0x37: {  	[smem:$0x3FB4] =	sst s10  }
0x38: {  	s10 =	sld [smem:$0x3FB5]  }
0x39: {  	_ = 	snop;
	(pc) =	sbr.ind lr, $3  }
0x3a: {  	_ = 	snop  }
0x3b: {  	_ = 	snop  }
0x3c: {  	p2 =	seq.s32 s10, $0x1;
	s10 =	sld [smem:$0x3FB4]  }
0x3d: {  	_ =	shalt  }
0x3e: {  	_ =	shalt  }
0x3f: {  	_ =	shalt  }
0x40: {  	_ =	shalt  }
0x41: {  	_ =	shalt  }
0x42: {  	_ =	shalt  }
0x43: {  	_ =	shalt  }
0x44: {  	_ =	shalt  }
0x45: {  	_ =	shalt  }
0x46: {  	_ =	shalt  }
0x47: {  	_ =	shalt  }
0x48: {  	_ =	shalt  }
0x49: {  	_ =	shalt  }
0x4a: {  	_ =	shalt  }
0x4b: {  	_ =	shalt  }
0x4c: {  	_ =	shalt  }
0x4d: {  	_ =	shalt  }
0x4e: {  	_ =	shalt  }
0x4f: {  	_ =	shalt  }
0x50: {  	_ =	shalt  }
0x51: {  	_ =	shalt  }
0x52: {  	_ =	shalt  }
0x53: {  	_ =	shalt  }
0x54: {  	_ =	shalt  }
0x55: {  	_ =	shalt  }
0x56: {  	_ =	shalt  }
0x57: {  	_ =	shalt  }
0x58: {  	_ =	shalt  }
0x59: {  	_ =	shalt  }
0x5a: {  	_ =	shalt  }
0x5b: {  	_ =	shalt  }
0x5c: {  	_ =	shalt  }
0x5d: {  	_ =	shalt  }
0x5e: {  	_ =	shalt  }
0x5f: {  	_ =	shalt  }
0x60: {  	_ =	shalt  }
0x61: {  	_ =	shalt  }
0x62: {  	_ =	shalt  }
0x63: {  	_ =	shalt  }
0x64: {  	_ =	shalt  }
0x65: {  	_ =	shalt  }
0x66: {  	_ =	shalt  }
0x67: {  	_ =	shalt  }
0x68: {  	_ =	shalt  }
0x69: {  	_ =	shalt  }
0x6a: {  	_ =	shalt  }
0x6b: {  	_ =	shalt  }
0x6c: {  	_ =	shalt  }
0x6d: {  	_ =	shalt  }
0x6e: {  	_ =	shalt  }
0x6f: {  	_ =	shalt  }
0x70: {  	_ =	shalt  }
0x71: {  	_ =	shalt  }
0x72: {  	_ =	shalt  }
0x73: {  	_ =	shalt  }
0x74: {  	_ =	shalt  }
0x75: {  	_ =	shalt  }
0x76: {  	_ =	shalt  }
0x77: {  	_ =	shalt  }
0x78: {  	_ =	shalt  }
0x79: {  	_ =	shalt  }
0x7a: {  	_ =	shalt  }
0x7b: {  	_ =	shalt  }
0x7c: {  	_ =	shalt  }
0x7d: {  	_ =	shalt  }
0x7e: {  	_ =	shalt  }
0x7f: {  	_ =	shalt  }
0x80: {  	_ =	shalt  }
0x81: {  	_ =	shalt  }
0x82: {  	_ =	shalt  }
0x83: {  	_ =	shalt  }
0x84: {  	_ =	shalt  }
0x85: {  	_ =	shalt  }
0x86: {  	_ =	shalt  }
0x87: {  	_ =	shalt  }
.Lfunc_end0:
.L_simem_size_0:
called_computation_lowered:
.L_overlay_start_0:
0x88: {  	s2 =	sld [smem:$0x3FD9]  }
0x89: {  	s3 =	sld [smem:$0x3FFE];
	_ =	sdelay $0x1  }
0x8a: {  	s1 =	srdreg.scid  }
0x8b: {  	s0 =	sand.u32 $0x1, s1  }
0x8c: {  	s17 =	sshll.u32 s0, $0xA;
	s2 =	sadd.s32 s3, s2  }
0x8d: {  	s2 =	sadd.s32 s2, s17  }
0x8e: {  	[smem:$0x3FC0] =	sst s2  }
0x8f: {  	_ = 	snop  }
0x90: {  	s2 =	sld [smem:$0x3FC9]  }
0x91: {  	s18 =	sld [smem:$0x3FD0];
	(tm) =	ssettm $0x1  }
0x92: {  	s4 =	sld [smem:$0x3FFB];
	_ =	sdelay $0x3  }
0x93: {  	_ =	strace s4  }
0x94: {  	s4 =	sld [smem:$0x3FFC];
	_ =	sdelay $0x3  }
0x95: {  	_ =	strace s4  }
0x96: {  	s4 =	sld [smem:$0x3FFD];
	_ =	sdelay $0x3  }
0x97: {  	_ =	strace s4  }
0x98: {  	_ =	strace $0x8FFFFFFF  }
0x99: {  	s19 =	sld [smem:$0x3FDB];
	_ =	sdelay $0x1  }
0x9a: {  	s5 =	simm.s32 $_scs_section_size  }
0x9b: {  	s6 =	simm.s32 $_size__tile_overlayer_lowered;
	s7 =	simm.s32 $_tile_overlayer_lowered  }
0x9c: {  	s22 =	simm.s32 $0x1BFF;
	s21 =	sshll.u32 s7, $0x1;
	s4 =	sadd.s32 s5, s19  }
0x9d: {  	s8 =	simm.s32 $0x0;
	s20 =	sshll.u32 s6, $0x1;
	s6 =	sadd.s32 s21, s4  }
0x9e: {  	[timem:s8], [sflag:s22] =	dma.local [hbm:s6], s20  }
0x9f: {  	_ =	swait.ge [sflag:s22], s20  }
0xa0: {  	s5 =	ssub.s32 $0x0, s20;
	[sflag:s22] =	ssyncset.done $0x0  }
0xa1: {  	[sflag:s22] =	ssyncadd.s32 s5;
	_ =	sdelay $0x1  }
0xa2: {  	s23 =	simm.s32 $0x1B8B  }
0xa3: {  	_ =	swait.ge [sflag:s23], $0x1  }
0xa4: {  	[sflag:s23] =	ssyncset.done $0x0  }
0xa5: {  	s25 =	simm.s32 $0x1B8E;
	s24 =	sld [smem:$0x3FFE];
	[sflag:s23] =	ssyncadd.s32 $0xFFFFFFFF  }
0xa6: {  	s26 =	simm.s32 $execute0_lowered;
	[smem:$0x3FD2] =	sst s25  }
0xa7: {  	s6 =	sshll.u32 s26, $0x1;
	_ =	strace $0x80000046;
	[dreg:$0x1] =	wrdreg $0xFFFFFFFF  }
0xa8: {  	s28 =	simm.s32 $_size_execute0_lowered;
	s4 =	sadd.s32 s4, s6;
	[dreg:$0x0] =	wrdreg $0x0  }
0xa9: {  	s6 =	sshll.u32 s28, $0x1;
	[dreg:$0x2] =	wrdreg s4  }
0xaa: {  	[dreg:$0x3] =	wrdreg s6  }
0xab: {  	[dreg:$0x4] =	wrdreg $0xC0  }
0xac: {  	_ =	task [dreg:s8], $0x5FFFF  }
0xad: {  	[dreg:$0x1] =	wrdreg $0xFFFFFFFF  }
0xae: {  	[dreg:$0x0] =	wrdreg $0x60  }
0xaf: {  	[dreg:$0x2] =	wrdreg s2  }
0xb0: {  	[dreg:$0x3] =	wrdreg s24  }
0xb1: {  	[dreg:$0x4] =	wrdreg s18  }
0xb2: {  	[dreg:$0x5] =	wrdreg $0x0  }
0xb3: {  	[dreg:$0x6] =	wrdreg $0x9C400  }
0xb4: {  	[dreg:$0x7] =	wrdreg $0x9  }
0xb5: {  	_ =	task.clear_ibuf [dreg:s8], $0x8FFFF;
	_ =	strace $0x90000046  }
0xb6: {  	s29 =	simm.s32 $0x9;
	_ =	strace $0x80000048  }
0xb7: {  	_ =	swait.ge [sflag:s29], $0x1  }
0xb8: {  	[sflag:s29] =	ssyncadd.s32 $0xFFFFFFFF  }
0xb9: {  	_ =	strace $0x90000048  }
0xba: {  	_ =	sfence  }
0xbb: {  	s30 =	sld [smem:$0x0];
	_ =	sdelay $0x2  }
0xbc: {  	s31 =	sshll.u32 s1, $0xD;
	s1 =	sshrl.u32 s1, $0x2  }
0xbd: {  	s3 =	sand.u32 $0x4000, s31;
	s1 =	sadd.s32 s1, s30  }
0xbe: {  	s0 =	sor.u32 s3, s0;
	s1 =	sshll.u32 s1, $0x11  }
0xbf: {  	s0 =	sor.u32 s1, s0  }
0xc0: {  	s0 =	sadd.s32 $0x8F2B, s0  }
0xc1: {  	[sflag:s0] =	ssyncadd.remote.s32 $0x1  }
0xc2: {  	_ =	sfence.sel $0xFFFF  }
0xc3: {  	[dreg:$0x0] =	wrdreg $0xFFFFFFFF;
	(pc) =	sbr.abs _section_cstart, $3  }
0xc4: {  	[dreg:$0x1] =	wrdreg $0xFFFFFFFF  }
0xc5: {  	_ =	task.clear_ibuf [dreg:s8], $0x2FFFF;
	_ =	strace $0x9FFFFFFF  }
0xc6: {  	(tm) =	ssettm $0x7FFFFFFF  }
0xc7: {  	_ =	shalt  }
tec
execute0_lowered:
.L_overlay_start_1:
0x0: {  	(tag) =	ssettag $0x1  }
0x1: {  	s0 =	rddreg [dreg:$0x0]  }
0x2: {  	s3 =	rddreg [dreg:$0x1]  }
0x3: {  	s10 =	rddreg [dreg:$0x2]  }
0x4: {  	s1 =	rddreg [dreg:$0x3]  }
0x5: {  	s2 =	rddreg [dreg:$0x4];
	s4 =	simm.s32 $0x0  }
0x6: {  	s5 =	srdreg.scid;
	s14 =	stileid.u32;
	s16 =	simm.s32 $0x9  }
0x7: {  	s18 =	simm.s32 $0x138A0;
	s19 =	simm.s32 $0x14CA0;
	s20 =	simm.s32 $0x80  }
0x8: {  	s21 =	simm.s32 $0x160A0;
	s22 =	simm.s32 $0x180A0;
	s28 =	simm.s32 $0x4  }
0x9: {  	s29 =	simm.s32 $0x5;
	s30 =	simm.s32 $0x6;
	s31 =	simm.s32 $0x7  }
0xa: {  	[smem:$0x7FF] =	sst s4;
	s6 =	sand.u32 $0x1, s5;
	s7 =	smul.u32 $0x13880, s14  }
0xb: {  	s5 =	sadd.s32 $0xBA00, s3;
	s11 =	smul.u32 $0x9C40, s14;
	s24 =	sshll.u32 s14, $0x6  }
0xc: {  	_ =	strace $0x80000047;
	s8 =	ssub.s32 $0x2, s6;
	s6 =	sshll.u32 s6, $0x6  }
0xd: {  	s9 =	sshrl.u32 s8, $0x1;
	s7 =	sor.u32 s6, s7;
	s6 =	sadd.s32 $0x1A00, s3  }
0xe: {  	s13 =	sadd.s32 s11, s1;
	s25 =	sadd.s32 s11, s2;
	s23 =	ssub.s32 s8, s9  }
0xf: {  	s12 =	sshrl.u32 s7, $0x3;
	s8 =	sor.u32 $0x1C09, s24;
	s9 =	smul.u32 $0xA0, s14  }
0x10: {  	s26 =	sshrl.u32 s13, $0x3;
	s13 =	simm.s32 $0x1;
	s14 =	simm.s32 $0x8  }
0x11: {  	s17 =	sshrl.u32 s25, $0x3;
	s24 =	simm.s32 $0x1C0A0;
	s25 =	simm.s32 $0x2  }
0x12: {  	s7 =	sadd.s32 s0, s12;
	s10 =	sadd.s32 s10, s12;
	[dreg:$0x8] =	wrdreg s26  }
0x13: {  	s3 =	smax.u32 s23, $0x1;
	s23 =	simm.s32 $0x1A0A0;
	[dreg:$0x6] =	wrdreg s10  }
0x14: {  	s26 =	simm.s32 $0x3;
	[dreg:$0x7] =	wrdreg s3;
	s3 =	simm.s32 $0x10  }
.LBB2_1:
0x15: {  	s0 =	rddreg [dreg:$0x8]  }
0x16: {  	[spmem:s0@s14], [sflag:s8] =	dma.strided [hbm:s7@s3], $0x1388, s13, $0x8   }
0x17: {  	_ =	swait.ge [sflag:s16], $0x1388  }
0x18: {  	[sflag:s16] =	ssyncset.done $0x0  }
0x19: {  	[sflag:s16] =	ssyncadd.s32 $0xFFFFEC78  }
0x1a: {  	[spmem:s17@s14], [sflag:s8] =	dma.strided [hbm:s7@s3], $0x1388, s13, $0x8   }
0x1b: {  	_ =	swait.ge [sflag:s16], $0x1388  }
0x1c: {  	[sflag:s16] =	ssyncset.done $0x0  }
0x1d: {  	[sflag:s16] =	ssyncadd.s32 $0xFFFFEC78  }
0x1e: {  	s0 =	simm.s32 $0x0;
	[bflag:$0x0] =	sbarrier.arrive $0xFFFF  }
.LBB2_2:
0x1f: {  	s3 =	smul.u32 $0x28, s0;
	_ =	sdelay $0x1  }
0x20: {  	s3 =	sadd.s32 s9, s3  }
0x21: {  	s3 =	sshll.u32 s3, $0x4  }
0x22: {  	s11 =	simm.s32 $0x0;
	s10 =	sadd.s32 s5, s3  }
0x23: {  	[tilespmem:s18], [sflag:$0x9] =	stream.linear.gather [hbm4b:s10+s11], $0x1400, $0x38;
	[tilespmem:$0x1E0A0] =	vst v63  }
0x24: {  	_ =	swait.ge [sflag:s16], $0x1400  }
0x25: {  	[sflag:s16] =	ssyncset.done $0x0  }
0x26: {  	s3 =	sadd.s32 s6, s3;
	[sflag:s16] =	ssyncadd.s32 $0xFFFFEC00  }
0x27: {  	[tilespmem:s19], [sflag:$0x9] =	stream.linear.gather [hbm4b:s3+s11], $0x1400, $0x38;
	[tilespmem:$0x1E0A0] =	vst v63  }
0x28: {  	_ =	swait.ge [sflag:s16], $0x1400  }
0x29: {  	[sflag:s16] =	ssyncset.done $0x0  }
0x2a: {  	s10 =	simm.s32 $0x138A0;
	[sflag:s16] =	ssyncadd.s32 $0xFFFFEC00  }
0x2b: {  	[tilespmem:s21], [sflag:$0x1] =	stream.indirect.gather [spmem:s1], $0x40, s10, s20, $0xb8;
	[tilespmem:$0x1E0A0] =	vst v63  }
0x2c: {  	s11 =	simm.s32 $0x13920  }
0x2d: {  	[tilespmem:s22], [sflag:$0x2] =	stream.indirect.gather [spmem:s1], $0x40, s11, s20, $0xb8;
	[tilespmem:$0x1E0A0] =	vst v63  }
0x2e: {  	s12 =	simm.s32 $0x139A0  }
0x2f: {  	[tilespmem:s23], [sflag:$0x3] =	stream.indirect.gather [spmem:s1], $0x40, s12, s20, $0xb8;
	[tilespmem:$0x1E0A0] =	vst v63  }
0x30: {  	s15 =	simm.s32 $0x13A20  }
0x31: {  	[tilespmem:s24], [sflag:$0x4] =	stream.indirect.gather [spmem:s1], $0x40, s15, s20, $0xb8;
	[tilespmem:$0x1E0A0] =	vst v63  }
0x32: {  	_ =	swait.ge [sflag:s13], $0x2000  }
0x33: {  	[sflag:s13] =	ssyncset.done $0x0  }
0x34: {  	s10 =	simm.s32 $0x14CA0;
	[sflag:s13] =	ssyncadd.s32 $0xFFFFE000  }
0x35: {  	[spmem:s2] =	stream.indirect.scatter.add.f32 [tilespmem:s21], [sflag:$0x5], $0x40, s10, s20, $0xb8;
	[tilespmem:$0x1E0A0] =	vst v63  }
0x36: {  	_ =	swait.ge [sflag:s25], $0x2000  }
0x37: {  	[sflag:s25] =	ssyncset.done $0x0  }
0x38: {  	s11 =	simm.s32 $0x14D20;
	[sflag:s25] =	ssyncadd.s32 $0xFFFFE000  }
0x39: {  	[spmem:s2] =	stream.indirect.scatter.add.f32 [tilespmem:s22], [sflag:$0x6], $0x40, s11, s20, $0xb8;
	[tilespmem:$0x1E0A0] =	vst v63  }
0x3a: {  	_ =	swait.ge [sflag:s26], $0x2000  }
0x3b: {  	[sflag:s26] =	ssyncset.done $0x0  }
0x3c: {  	s12 =	simm.s32 $0x14DA0;
	[sflag:s26] =	ssyncadd.s32 $0xFFFFE000  }
0x3d: {  	[spmem:s2] =	stream.indirect.scatter.add.f32 [tilespmem:s23], [sflag:$0x7], $0x40, s12, s20, $0xb8;
	[tilespmem:$0x1E0A0] =	vst v63  }
0x3e: {  	_ =	swait.ge [sflag:s28], $0x2000  }
0x3f: {  	[sflag:s28] =	ssyncset.done $0x0  }
0x40: {  	s15 =	simm.s32 $0x14E20;
	[sflag:s28] =	ssyncadd.s32 $0xFFFFE000  }
0x41: {  	[spmem:s2] =	stream.indirect.scatter.add.f32 [tilespmem:s24], [sflag:$0x8], $0x40, s15, s20, $0xb8;
	[tilespmem:$0x1E0A0] =	vst v63  }
0x42: {  	_ =	swait.ge [sflag:s29], $0x2000  }
0x43: {  	[sflag:s29] =	ssyncset.done $0x0  }
0x44: {  	[sflag:s29] =	ssyncadd.s32 $0xFFFFE000  }
0x45: {  	_ =	swait.ge [sflag:s30], $0x2000  }
0x46: {  	[sflag:s30] =	ssyncset.done $0x0  }
0x47: {  	[sflag:s30] =	ssyncadd.s32 $0xFFFFE000  }
0x48: {  	_ =	swait.ge [sflag:s31], $0x2000  }
0x49: {  	[sflag:s31] =	ssyncset.done $0x0  }
0x4a: {  	[sflag:s31] =	ssyncadd.s32 $0xFFFFE000  }
0x4b: {  	_ =	swait.ge [sflag:s14], $0x2000  }
0x4c: {  	s3 =	simm.s32 $0x200;
	s10 =	simm.s32 $0x1000;
	[sflag:s14] =	ssyncset.done $0x0  }
.LBB2_3:
0x4d: {  	s15 =	sadd.s32 $0x138A0, s3  }
0x4e: {  	[sflag:s14] =	ssyncadd.s32 $0xFFFFE000;
	s11 =	smov.u32 s10;
	s12 =	sadd.s32 $0x800, s10  }
0x4f: {  	[tilespmem:s21], [sflag:$0x1] =	stream.indirect.gather [spmem:s1], $0x40, s15, s20, $0xb8;
	[tilespmem:$0x1E0A0] =	vst v63  }
0x50: {  	p0 =	sne.s32 s10, $0x4800;
	s10 =	sadd.s32 $0x13920, s3  }
0x51: {  	[tilespmem:s22], [sflag:$0x2] =	stream.indirect.gather [spmem:s1], $0x40, s10, s20, $0xb8;
	[tilespmem:$0x1E0A0] =	vst v63  }
0x52: {  	s10 =	sadd.s32 $0x139A0, s3  }
0x53: {  	[tilespmem:s23], [sflag:$0x3] =	stream.indirect.gather [spmem:s1], $0x40, s10, s20, $0xb8;
	[tilespmem:$0x1E0A0] =	vst v63  }
0x54: {  	s10 =	sadd.s32 $0x13A20, s3  }
0x55: {  	[tilespmem:s24], [sflag:$0x4] =	stream.indirect.gather [spmem:s1], $0x40, s10, s20, $0xb8;
	[tilespmem:$0x1E0A0] =	vst v63  }
0x56: {  	_ =	swait.ge [sflag:s13], $0x2000  }
0x57: {  	[sflag:s13] =	ssyncset.done $0x0  }
0x58: {  	s10 =	sadd.s32 $0x14CA0, s3;
	[sflag:s13] =	ssyncadd.s32 $0xFFFFE000  }
0x59: {  	[spmem:s2] =	stream.indirect.scatter.add.f32 [tilespmem:s21], [sflag:$0x5], $0x40, s10, s20, $0xb8;
	[tilespmem:$0x1E0A0] =	vst v63  }
0x5a: {  	_ =	swait.ge [sflag:s25], $0x2000  }
0x5b: {  	[sflag:s25] =	ssyncset.done $0x0  }
0x5c: {  	s10 =	sadd.s32 $0x14D20, s3;
	[sflag:s25] =	ssyncadd.s32 $0xFFFFE000  }
0x5d: {  	[spmem:s2] =	stream.indirect.scatter.add.f32 [tilespmem:s22], [sflag:$0x6], $0x40, s10, s20, $0xb8;
	[tilespmem:$0x1E0A0] =	vst v63  }
0x5e: {  	_ =	swait.ge [sflag:s26], $0x2000  }
0x5f: {  	[sflag:s26] =	ssyncset.done $0x0  }
0x60: {  	s10 =	sadd.s32 $0x14DA0, s3;
	[sflag:s26] =	ssyncadd.s32 $0xFFFFE000  }
0x61: {  	[spmem:s2] =	stream.indirect.scatter.add.f32 [tilespmem:s23], [sflag:$0x7], $0x40, s10, s20, $0xb8;
	[tilespmem:$0x1E0A0] =	vst v63  }
0x62: {  	_ =	swait.ge [sflag:s28], $0x2000  }
0x63: {  	[sflag:s28] =	ssyncset.done $0x0  }
0x64: {  	s3 =	sadd.s32 $0x14E20, s3;
	[sflag:s28] =	ssyncadd.s32 $0xFFFFE000  }
0x65: {  	[spmem:s2] =	stream.indirect.scatter.add.f32 [tilespmem:s24], [sflag:$0x8], $0x40, s3, s20, $0xb8;
	[tilespmem:$0x1E0A0] =	vst v63  }
0x66: {  	_ =	swait.ge [sflag:s29], $0x2000  }
0x67: {  	[sflag:s29] =	ssyncset.done $0x0  }
0x68: {  	[sflag:s29] =	ssyncadd.s32 $0xFFFFE000  }
0x69: {  	_ =	swait.ge [sflag:s30], $0x2000  }
0x6a: {  	[sflag:s30] =	ssyncset.done $0x0  }
0x6b: {  	[sflag:s30] =	ssyncadd.s32 $0xFFFFE000  }
.Ltmp0:
0x6c: {  	_ =	swait.ge [sflag:s31], $0x2000;
	(pc) =	sbr.rel @p0 .LBB2_3-.Ltmp0, $4  }
0x6d: {  	[sflag:s31] =	ssyncset.done $0x0  }
0x6e: {  	[sflag:s31] =	ssyncadd.s32 $0xFFFFE000  }
0x6f: {  	_ =	swait.ge [sflag:s14], $0x2000  }
0x70: {  	s10 =	smov.u32 s12;
	s3 =	sshra.s32 s11, $0x2;
	[sflag:s14] =	ssyncset.done $0x0  }
0x71: {  	s10 =	sadd.s32 $0x138A0, s3;
	[sflag:s14] =	ssyncadd.s32 $0xFFFFE000  }
0x72: {  	[tilespmem:s21], [sflag:$0x1] =	stream.indirect.gather [spmem:s1], $0x40, s10, s20, $0xb8;
	[tilespmem:$0x1E0A0] =	vst v63  }
0x73: {  	s15 =	sadd.s32 $0x13920, s3  }
0x74: {  	[tilespmem:s22], [sflag:$0x2] =	stream.indirect.gather [spmem:s1], $0x40, s15, s20, $0xb8;
	[tilespmem:$0x1E0A0] =	vst v63  }
0x75: {  	s11 =	sadd.s32 $0x139A0, s3  }
0x76: {  	[tilespmem:s23], [sflag:$0x3] =	stream.indirect.gather [spmem:s1], $0x40, s11, s20, $0xb8;
	[tilespmem:$0x1E0A0] =	vst v63  }
0x77: {  	s12 =	sadd.s32 $0x13A20, s3  }
0x78: {  	[tilespmem:s24], [sflag:$0x4] =	stream.indirect.gather [spmem:s1], $0x40, s12, s20, $0xb8;
	[tilespmem:$0x1E0A0] =	vst v63  }
0x79: {  	_ =	swait.ge [sflag:s13], $0x2000  }
0x7a: {  	[sflag:s13] =	ssyncset.done $0x0  }
0x7b: {  	s15 =	sadd.s32 $0x14CA0, s3;
	[sflag:s13] =	ssyncadd.s32 $0xFFFFE000  }
0x7c: {  	[spmem:s2] =	stream.indirect.scatter.add.f32 [tilespmem:s21], [sflag:$0x5], $0x40, s15, s20, $0xb8;
	[tilespmem:$0x1E0A0] =	vst v63  }
0x7d: {  	_ =	swait.ge [sflag:s25], $0x2000  }
0x7e: {  	[sflag:s25] =	ssyncset.done $0x0  }
0x7f: {  	s11 =	sadd.s32 $0x14D20, s3;
	[sflag:s25] =	ssyncadd.s32 $0xFFFFE000  }
0x80: {  	[spmem:s2] =	stream.indirect.scatter.add.f32 [tilespmem:s22], [sflag:$0x6], $0x40, s11, s20, $0xb8;
	[tilespmem:$0x1E0A0] =	vst v63  }
0x81: {  	_ =	swait.ge [sflag:s26], $0x2000  }
0x82: {  	[sflag:s26] =	ssyncset.done $0x0  }
0x83: {  	s12 =	sadd.s32 $0x14DA0, s3;
	[sflag:s26] =	ssyncadd.s32 $0xFFFFE000  }
0x84: {  	[spmem:s2] =	stream.indirect.scatter.add.f32 [tilespmem:s23], [sflag:$0x7], $0x40, s12, s20, $0xb8;
	[tilespmem:$0x1E0A0] =	vst v63  }
0x85: {  	_ =	swait.ge [sflag:s28], $0x2000  }
0x86: {  	[sflag:s28] =	ssyncset.done $0x0  }
0x87: {  	s15 =	sadd.s32 $0x14E20, s3;
	[sflag:s28] =	ssyncadd.s32 $0xFFFFE000  }
0x88: {  	[spmem:s2] =	stream.indirect.scatter.add.f32 [tilespmem:s24], [sflag:$0x8], $0x40, s15, s20, $0xb8;
	[tilespmem:$0x1E0A0] =	vst v63  }
0x89: {  	_ =	swait.ge [sflag:s29], $0x2000  }
0x8a: {  	[sflag:s29] =	ssyncset.done $0x0  }
0x8b: {  	[sflag:s29] =	ssyncadd.s32 $0xFFFFE000  }
0x8c: {  	_ =	swait.ge [sflag:s30], $0x2000  }
0x8d: {  	[sflag:s30] =	ssyncset.done $0x0  }
0x8e: {  	s0 =	sadd.s32 $0x1, s0;
	[sflag:s30] =	ssyncadd.s32 $0xFFFFE000  }
0x8f: {  	p0 =	sne.s32 s0, $0x4;
	_ =	swait.ge [sflag:s31], $0x2000  }
.Ltmp1:
0x90: {  	[sflag:s31] =	ssyncset.done $0x0;
	(pc) =	sbr.rel @p0 .LBB2_2-.Ltmp1, $4  }
0x91: {  	[sflag:s31] =	ssyncadd.s32 $0xFFFFE000  }
0x92: {  	_ =	swait.ge [sflag:s14], $0x2000  }
0x93: {  	[sflag:s14] =	ssyncset.done $0x0  }
0x94: {  	[sflag:s14] =	ssyncadd.s32 $0xFFFFE000  }
0x95: {  	[bflag:$0x0] =	sbarrier.arrive $0xFFFF  }
0x96: {  	s3 =	simm.s32 $0x10;
	s0 =	rddreg [dreg:$0x6]  }
0x97: {  	[hbm:s0@s3], [sflag:s8] =	dma.strided [spmem:s17@s14], $0x1388, s13, $0x8   }
0x98: {  	_ =	swait.ge [sflag:s16], $0x1388  }
0x99: {  	s4 =	sadd.s32 $0x1, s4;
	s15 =	rddreg [dreg:$0x7]  }
0x9a: {  	p0 =	sne.s32 s4, s15  }
.Ltmp2:
0x9b: {  	_ = 	snop;
	(pc) =	sbr.rel @p0 .LBB2_1-.Ltmp2, $3  }
0x9c: {  	_ =	sdelay $0x1  }
0x9d: {  	[sflag:s16] =	ssyncset.done $0x0  }
0x9e: {  	[sflag:s16] =	ssyncadd.s32 $0xFFFFEC78  }
0x9f: {  	_ =	sfence.sel $0x180000  }
0xa0: {  	[bflag:$0x0] =	sbarrier.arrive $0xFFFF  }
0xa1: {  	_ =	strace $0x90000047  }
0xa2: {  	s0 =	stileid.u32;
	[bflag:$0x2] =	sbarrier.arrive $0xFFFF  }
0xa3: {  	p0 =	sne.s32 s0, $0x0;
	s0 =	rddreg [dreg:$0x5]  }
0xa4: {  	s0 =	sadd.s32 @!p0 $0x100000, s0  }
0xa5: {  	[sflag:s0] =	ssyncadd.tile.s32 @!p0 $0x1;
	_ =	shalt  }
.Lfunc_end2:
_tile_overlayer_lowered:
.L_overlay_start_2:
0xa6: {  	(tag) =	ssettag $0x2  }
0xa7: {  	s0 =	rddreg [dreg:$0x0];
	s2 =	stileid.u32  }
0xa8: {  	s1 =	rddreg [dreg:$0x1];
	p0 =	sne.s32 s2, $0x0  }
0xa9: {  	s3 =	rddreg [dreg:$0x2];
	[bflag:$0x3] =	sbarrier.arrive $0xFFFF;
	s2 =	simm.s32 @!p0 $0x1C09  }
0xaa: {  	[timem:s3], [sflag:s2] =	dma.local @!p0 [hbm:s0], s1  }
0xab: {  	s0 =	simm.s32 @!p0 $0x9  }
0xac: {  	_ =	swait.ge @!p0 [sflag:s0], s1  }
0xad: {  	s1 =	ssub.s32 @!p0 $0x0, s1;
	[sflag:s0] =	ssyncset.done @!p0 $0x0  }
0xae: {  	[sflag:s0] =	ssyncadd.s32 @!p0 s1  }
0xaf: {  	[bflag:$0x3] =	sbarrier.arrive $0xFFFF  }
0xb0: {  	_ =	shalt  }

</sc_bundles>
